<compile_context>
chip_gen: v7x
topology: tpu7x:2x2x1
jax: 0.10.2.dev20260603
libtpu: 0.0.44.dev20260713+nightly
codegen_flags: <defaults>
</compile_context>

<pallas_src>
import functools

import jax
import jax.numpy as jnp
from jax import lax
from jax.experimental import pallas as pl
from jax.experimental.pallas import tpu as pltpu
from jax.experimental.pallas import tpu_sc as plsc


def _make_sc_mean(n, t):
    nw = 32
    rows_w = n // nw
    groups = rows_w // 16
    mesh = plsc.VectorSubcoreMesh(core_axis_name="c", subcore_axis_name="s")

    @functools.partial(
        pl.kernel, mesh=mesh,
        out_type=jax.ShapeDtypeStruct((n,), jnp.float32),
        scratch_types=[
            pltpu.VMEM((t * rows_w,), jnp.float32),
            pltpu.VMEM((rows_w,), jnp.float32),
        ],
    )
    def k(x_hbm, out_hbm, xv, outv):
        wid = lax.axis_index("s") * 2 + lax.axis_index("c")
        base = wid * rows_w
        pltpu.sync_copy(x_hbm.at[pl.ds(wid * (t * rows_w), t * rows_w)], xv)
        inv = jnp.full((16,), 1.0 / t, jnp.float32)

        def time_body(tt, accs):
            off = tt * rows_w
            return tuple(
                accs[g] + xv[pl.ds(off + g * 16, 16)] for g in range(groups)
            )

        init = tuple(jnp.zeros((16,), jnp.float32) for _ in range(groups))
        accs = lax.fori_loop(0, t, time_body, init)
        for g in range(groups):
            outv[pl.ds(g * 16, 16)] = accs[g] * inv
        pltpu.sync_copy(outv, out_hbm.at[pl.ds(base, rows_w)])

    return k


def _enc_body(xm_ref, wb_ref, bb_ref, w1_ref, s1_ref):
    h = xm_ref[...] * wb_ref[...] + bb_ref[...]
    s1 = jnp.dot(h, w1_ref[...], preferred_element_type=jnp.float32)
    s1_ref[...] = s1.astype(jnp.bfloat16)


def _topk_body(alpha_ref, kcap_ref, adj_ref, s1_ref, b1_ref,
               w_ref, h1_ref, q_ref):
    a = adj_ref[...]
    bn = a.shape
    def count(mask):
        v = jnp.where(mask, jnp.float32(1), jnp.float32(0))
        width = bn[1]
        while width > 128:
            half = width // 2
            v = v[:, :half] + v[:, half:]
            width = half
        return _lanesum(v)

    def _lanesum(v):
        return jnp.sum(v.astype(jnp.float32), axis=1, keepdims=True)

    def count16(mask16):
        v = jnp.where(mask16, jnp.int16(1), jnp.int16(0))
        width = bn[1]
        while width > 128:
            half = width // 2
            v = v[:, :half] + v[:, half:]
            width = half
        return _lanesum(v)

    colid = lax.broadcasted_iota(jnp.int32, bn, 1)
    alpha = alpha_ref[0]
    kk32 = jnp.minimum(kcap_ref[0], 32)
    kk = kk32.astype(jnp.float32)
    key = lax.bitcast_convert_type(a, jnp.int32)
    hi16 = (key >> 15).astype(jnp.int16)
    p = jnp.zeros((bn[0], 1), jnp.int32)
    for b in range(14, -1, -1):
        t = p + jnp.int32(1 << b)
        c = count16(hi16 < t.astype(jnp.int16))
        p = jnp.where(c < kk, t, p)
    p16 = p.astype(jnp.int16)
    match = hi16 == p16
    m2 = kk - count16(hi16 < p16)
    low16 = jnp.where(match, (key & jnp.int32(0x7FFF)).astype(jnp.int16),
                      jnp.int16(0x7FFF))
    pl_ = jnp.zeros((bn[0], 1), jnp.int32)
    for b in range(14, -1, -1):
        t = pl_ + jnp.int32(1 << b)
        c = count16(low16 < t.astype(jnp.int16))
        pl_ = jnp.where(c < m2, t, pl_)
    thresh = (p << 15) | pl_
    le = key <= thresh
    q_ref[...] = jnp.full((bn[0], 1), jnp.int32(bn[1]))
    excess = jnp.max(count(le)) > kk

    @pl.when(excess)
    def _tie_break():
        eq = key == thresh
        m = kk - count(key < thresh)
        eqcol = jnp.where(eq, colid, jnp.int32(bn[1]))
        q = jnp.zeros((bn[0], 1), jnp.int32)
        for b in range(11, -1, -1):
            t = q + jnp.int32(1 << b)
            c = count(eqcol < t)
            q = jnp.where(c < m, t, q)
        q_ref[...] = q

    sel = le & ((key != thresh) | (colid <= q_ref[...]))
    w = jnp.where(sel, jnp.exp(-alpha * a), 0.0)
    z = jnp.sum(w, axis=1, keepdims=True)
    wn = (w / z)
    wb16 = wn.astype(jnp.bfloat16)
    w_ref[...] = wb16
    a1 = jnp.dot(wb16, s1_ref[...],
                 preferred_element_type=jnp.float32) + b1_ref[...]
    h1_ref[...] = jnp.maximum(a1, 0.0).astype(jnp.bfloat16)


def _l2_body(w_ref, h1_ref, w2_ref, b2_ref, out_ref):
    s2 = jnp.dot(h1_ref[...], w2_ref[...].astype(jnp.bfloat16),
                 preferred_element_type=jnp.float32)
    a2 = jnp.dot(w_ref[...], s2.astype(jnp.bfloat16),
                 preferred_element_type=jnp.float32) + b2_ref[...]
    mx = jnp.max(a2, axis=1, keepdims=True)
    e = jnp.exp(a2 - mx)
    lse = jnp.log(jnp.sum(e, axis=1, keepdims=True)) + mx
    out_ref[...] = a2 - lse


def kernel(x, adj, W_b, b_b, W1, b1, W2, b2, K, alpha):
    n, c_in, t = x.shape
    d = W1.shape[0]
    nc = W2.shape[1]
    x2 = x.reshape(n, c_in * t)
    bb = b_b.reshape(1, d)
    b1r = b1.reshape(1, d)
    b2r = b2.reshape(1, nc)
    alpha_f = jnp.asarray(alpha, jnp.float32).reshape(1)
    kcap = jnp.asarray(K, jnp.int32).reshape(1)

    nw = 32
    xg = x2.T.reshape(c_in * t, nw, n // nw).transpose(1, 0, 2)
    xm = _make_sc_mean(n, c_in * t)(xg.reshape(n * c_in * t))
    xm2 = xm.reshape(n, 1)

    benc = 512
    s1 = pl.pallas_call(
        _enc_body,
        grid=(n // benc,),
        in_specs=[
            pl.BlockSpec((benc, 1), lambda i: (i, 0)),
            pl.BlockSpec((c_in, d), lambda i: (0, 0)),
            pl.BlockSpec((1, d), lambda i: (0, 0)),
            pl.BlockSpec((d, d), lambda i: (0, 0)),
        ],
        out_specs=pl.BlockSpec((benc, d), lambda i: (i, 0)),
        out_shape=jax.ShapeDtypeStruct((n, d), jnp.bfloat16),
    )(xm2, W_b, bb, W1)

    btop = 256
    grid_spec = pltpu.PrefetchScalarGridSpec(
        num_scalar_prefetch=2,
        grid=(n // btop,),
        in_specs=[
            pl.BlockSpec((btop, n), lambda i, *_: (i, 0)),
            pl.BlockSpec((n, d), lambda i, *_: (0, 0)),
            pl.BlockSpec((1, d), lambda i, *_: (0, 0)),
        ],
        out_specs=[
            pl.BlockSpec((btop, n), lambda i, *_: (i, 0)),
            pl.BlockSpec((btop, d), lambda i, *_: (i, 0)),
        ],
        scratch_shapes=[pltpu.VMEM((btop, 1), jnp.int32)],
    )
    wdense, h1 = pl.pallas_call(
        _topk_body,
        grid_spec=grid_spec,
        out_shape=[
            jax.ShapeDtypeStruct((n, n), jnp.bfloat16),
            jax.ShapeDtypeStruct((n, d), jnp.bfloat16),
        ],
    )(alpha_f, kcap, adj, s1, b1r)

    bl2 = 512
    out = pl.pallas_call(
        _l2_body,
        grid=(n // bl2,),
        in_specs=[
            pl.BlockSpec((bl2, n), lambda i: (i, 0)),
            pl.BlockSpec((n, d), lambda i: (0, 0)),
            pl.BlockSpec((d, nc), lambda i: (0, 0)),
            pl.BlockSpec((1, nc), lambda i: (0, 0)),
        ],
        out_specs=pl.BlockSpec((bl2, nc), lambda i: (i, 0)),
        out_shape=jax.ShapeDtypeStruct((n, nc), jnp.float32),
    )(wdense, h1, W2, b2r)
    return out

# --- scband reference (transcript-rebuilt; emitter-appended) ---
"""Pipeline reference for scband-sim-tsc-2173253452192 (READ-ONLY COPY).

The authoritative reference and input builder live on the scoring server;
editing this copy changes nothing except your own understanding.
"""

import jax, jax.numpy as jnp
import numpy as np

N, T, C_IN, D, NC = 4096, 512, 1, 128, 16

def setup_inputs(seed: int = 0):
    key = jax.random.key(seed)
    ks = jax.random.split(key, 8)
    x = jax.random.normal(ks[0], (N, C_IN, T), dtype=jnp.float32)
    adj = jax.random.uniform(ks[1], (N, N), dtype=jnp.float32)
    # backbone (stand-in for Mamba encoder): per-timestep linear projection C_IN -> D
    W_b = jax.random.normal(ks[2], (C_IN, D), dtype=jnp.float32) * 0.05
    b_b = jnp.zeros((D,), dtype=jnp.float32)
    stdv1 = 1.0 / np.sqrt(D)
    W1 = jax.random.uniform(ks[3], (D, D), minval=-stdv1, maxval=stdv1, dtype=jnp.float32)
    b1 = jax.random.uniform(ks[4], (D,), minval=-stdv1, maxval=stdv1, dtype=jnp.float32)
    W2 = jax.random.uniform(ks[5], (D, NC), minval=-stdv1, maxval=stdv1, dtype=jnp.float32)
    b2 = jax.random.uniform(ks[6], (D and NC,), minval=-stdv1, maxval=stdv1, dtype=jnp.float32)
    return {"x": x, "adj": adj, "W_b": W_b, "b_b": b_b, "W1": W1, "b1": b1, "W2": W2, "b2": b2, "K": 32, "alpha": 1}

def reference(x, adj, W_b, b_b, W1, b1, W2, b2, K, alpha):
    # 1) kNN sparse graph construction from distance matrix
    K_STATIC = 32
    idx = jnp.argsort(adj, axis=1)[:, :K_STATIC]               # [N, K] nearest neighbors per row
    d = jnp.take_along_axis(adj, idx, axis=1)                  # [N, K]
    vals = 1.0 / jnp.exp(alpha * d)                            # [N, K]
    vals = jnp.where(jnp.arange(K_STATIC) < K, vals, 0.0)      # [N, K]
    vals = vals / jnp.sum(vals, axis=1, keepdims=True)         # row-normalized sparse adjacency values
    # 2) backbone encode: permute [N,C,T]->[N,T,C], project, permute back, avg_pool over time
    h = jnp.einsum('ntc,cd->ntd', jnp.transpose(x, (0, 2, 1)), W_b) + b_b  # [N, T, D]
    h = jnp.mean(h, axis=1)                                    # avg_pool1d(full) -> [N, D]
    # 3) GCN layer 1: support = h @ W1; out = spmm(A, support) + b1; relu
    s1 = h @ W1                                                # [N, D]
    g1 = jnp.take(s1, idx, axis=0)                             # [N, K, D] gather neighbors
    a1 = jnp.sum(vals[..., None] * g1, axis=1) + b1            # sparse A @ s1
    h1 = jax.nn.relu(a1)
    # dropout: eval mode (identity)
    # 4) GCN layer 2 -> classes
    s2 = h1 @ W2                                               # [N, NC]
    g2 = jnp.take(s2, idx, axis=0)                             # [N, K, NC]
    a2 = jnp.sum(vals[..., None] * g2, axis=1) + b2
    return jax.nn.log_softmax(a2, axis=1)

if __name__ == "__main__":
    import jax
    _d = setup_inputs()
    print(jax.jit(kernel)(*tuple(_d.values())))

</pallas_src>

<mosaic_0001>
#map = affine_map<(d0, d1) -> (0)>
module attributes {stable_mosaic.version = 14 : i64} {
  func.func @k(%arg0: i32, %arg1: i32, %arg2: memref<2097152xf32, #tpu.memory_space<hbm>>, %arg3: memref<4096xf32, #tpu.memory_space<hbm>>, %arg4: memref<65536xf32, #tpu.memory_space<vmem>>, %arg5: memref<128xf32, #tpu.memory_space<vmem>>) attributes {dimension_semantics = [#tpu.dimension_semantics<core_parallel>, #tpu.dimension_semantics<subcore_parallel>], iteration_bounds = array<i64: 2, 16>, scalar_prefetch = 0 : i64, scratch_operands = 2 : i64, tpu.core_type = #tpu.core_type<sc_vector_subcore>, window_params = [{transform_indices = #map}, {transform_indices = #map}]} {
    %mul3A = arith.constant 2 : i32
    %mul3A_0 = arith.muli %arg1, %mul3A : i32
    %add3A = arith.addi %mul3A_0, %arg0 : i32
    %mul3A_1 = arith.constant 128 : i32
    %mul3A_2 = arith.muli %add3A, %mul3A_1 : i32
    %mul3A_3 = arith.constant 65536 : i32
    %mul3A_4 = arith.muli %add3A, %mul3A_3 : i32
    "tpu.region"() ({
      %run_scoped3A = tpu.sem_alloc : memref<!tpu.dma_semaphore, #tpu.memory_space<semaphore_mem>>
      %dma_start3A = tpu.memref_slice %arg2[%mul3A_4] : memref<2097152xf32, #tpu.memory_space<hbm>> -> memref<65536xf32, #tpu.memory_space<hbm>>
      %dma_start3A_66 = tpu.memref_slice %arg2[%mul3A_4] : memref<2097152xf32, #tpu.memory_space<hbm>> -> memref<65536xf32, #tpu.memory_space<hbm>>
      tpu.enqueue_dma source(%dma_start3A_66 : memref<65536xf32, #tpu.memory_space<hbm>>) target(%arg4 : memref<65536xf32, #tpu.memory_space<vmem>>) target_semaphore(%run_scoped3A : memref<!tpu.dma_semaphore, #tpu.memory_space<semaphore_mem>>)
      %dma_wait3A = tpu.memref_slice %arg2[%mul3A_4] : memref<2097152xf32, #tpu.memory_space<hbm>> -> memref<65536xf32, #tpu.memory_space<hbm>>
      %dma_wait3A_67 = tpu.memref_slice %arg2[%mul3A_4] : memref<2097152xf32, #tpu.memory_space<hbm>> -> memref<65536xf32, #tpu.memory_space<hbm>>
      tpu.wait_dma2 semaphore(%run_scoped3A : memref<!tpu.dma_semaphore, #tpu.memory_space<semaphore_mem>>) src(%dma_wait3A_67 : memref<65536xf32, #tpu.memory_space<hbm>>) dst(%arg4 : memref<65536xf32, #tpu.memory_space<vmem>>)
      tpu.yield
    }) : () -> ()
    %broadcast_in_dim3A = arith.constant 0.001953125 : f32
    %broadcast_in_dim3A_5 = vector.broadcast %broadcast_in_dim3A : f32 to vector<16xf32>
    %broadcast_in_dim3A_6 = arith.constant 0.000000e+00 : f32
    %broadcast_in_dim3A_7 = vector.broadcast %broadcast_in_dim3A_6 : f32 to vector<16xf32>
    %broadcast_in_dim3A_8 = arith.constant 0.000000e+00 : f32
    %broadcast_in_dim3A_9 = vector.broadcast %broadcast_in_dim3A_8 : f32 to vector<16xf32>
    %broadcast_in_dim3A_10 = arith.constant 0.000000e+00 : f32
    %broadcast_in_dim3A_11 = vector.broadcast %broadcast_in_dim3A_10 : f32 to vector<16xf32>
    %broadcast_in_dim3A_12 = arith.constant 0.000000e+00 : f32
    %broadcast_in_dim3A_13 = vector.broadcast %broadcast_in_dim3A_12 : f32 to vector<16xf32>
    %broadcast_in_dim3A_14 = arith.constant 0.000000e+00 : f32
    %broadcast_in_dim3A_15 = vector.broadcast %broadcast_in_dim3A_14 : f32 to vector<16xf32>
    %broadcast_in_dim3A_16 = arith.constant 0.000000e+00 : f32
    %broadcast_in_dim3A_17 = vector.broadcast %broadcast_in_dim3A_16 : f32 to vector<16xf32>
    %broadcast_in_dim3A_18 = arith.constant 0.000000e+00 : f32
    %broadcast_in_dim3A_19 = vector.broadcast %broadcast_in_dim3A_18 : f32 to vector<16xf32>
    %broadcast_in_dim3A_20 = arith.constant 0.000000e+00 : f32
    %broadcast_in_dim3A_21 = vector.broadcast %broadcast_in_dim3A_20 : f32 to vector<16xf32>
    %scan3A = arith.constant 0 : i32
    %scan3A_22 = arith.constant 512 : i32
    %scan3A_23 = arith.addi %scan3A, %scan3A_22 : i32
    %scan3A_24 = arith.constant 1 : i32
    %scan3A_25:8 = scf.for %scan3A_66 = %scan3A to %scan3A_23 step %scan3A_24 iter_args(%scan3A_67 = %broadcast_in_dim3A_7, %scan3A_68 = %broadcast_in_dim3A_9, %scan3A_69 = %broadcast_in_dim3A_11, %scan3A_70 = %broadcast_in_dim3A_13, %scan3A_71 = %broadcast_in_dim3A_15, %scan3A_72 = %broadcast_in_dim3A_17, %scan3A_73 = %broadcast_in_dim3A_19, %scan3A_74 = %broadcast_in_dim3A_21) -> (vector<16xf32>, vector<16xf32>, vector<16xf32>, vector<16xf32>, vector<16xf32>, vector<16xf32>, vector<16xf32>, vector<16xf32>)  : i32 {
      %mul3A_75 = arith.constant 128 : i32
      %mul3A_76 = arith.muli %scan3A_66, %mul3A_75 : i32
      %add3A_77 = arith.constant 0 : i32
      %add3A_78 = arith.addi %mul3A_76, %add3A_77 : i32
      %get3A = arith.index_cast %add3A_78 : i32 to index
      %get3A_79 = tpu.vector_load %arg4[%get3A] {strides = array<i32>} : memref<65536xf32, #tpu.memory_space<vmem>>, vector<16xf32>,
      %get3A_80 = vector.shape_cast %get3A_79 : vector<16xf32> to vector<16xf32>
      %add3A_81 = arith.addf %scan3A_67, %get3A_80 : vector<16xf32>
      %add3A_82 = arith.constant 16 : i32
      %add3A_83 = arith.addi %mul3A_76, %add3A_82 : i32
      %get3A_84 = arith.index_cast %add3A_83 : i32 to index
      %get3A_85 = tpu.vector_load %arg4[%get3A_84] {strides = array<i32>} : memref<65536xf32, #tpu.memory_space<vmem>>, vector<16xf32>,
      %get3A_86 = vector.shape_cast %get3A_85 : vector<16xf32> to vector<16xf32>
      %add3A_87 = arith.addf %scan3A_68, %get3A_86 : vector<16xf32>
      %add3A_88 = arith.constant 32 : i32
      %add3A_89 = arith.addi %mul3A_76, %add3A_88 : i32
      %get3A_90 = arith.index_cast %add3A_89 : i32 to index
      %get3A_91 = tpu.vector_load %arg4[%get3A_90] {strides = array<i32>} : memref<65536xf32, #tpu.memory_space<vmem>>, vector<16xf32>,
      %get3A_92 = vector.shape_cast %get3A_91 : vector<16xf32> to vector<16xf32>
      %add3A_93 = arith.addf %scan3A_69, %get3A_92 : vector<16xf32>
      %add3A_94 = arith.constant 48 : i32
      %add3A_95 = arith.addi %mul3A_76, %add3A_94 : i32
      %get3A_96 = arith.index_cast %add3A_95 : i32 to index
      %get3A_97 = tpu.vector_load %arg4[%get3A_96] {strides = array<i32>} : memref<65536xf32, #tpu.memory_space<vmem>>, vector<16xf32>,
      %get3A_98 = vector.shape_cast %get3A_97 : vector<16xf32> to vector<16xf32>
      %add3A_99 = arith.addf %scan3A_70, %get3A_98 : vector<16xf32>
      %add3A_100 = arith.constant 64 : i32
      %add3A_101 = arith.addi %mul3A_76, %add3A_100 : i32
      %get3A_102 = arith.index_cast %add3A_101 : i32 to index
      %get3A_103 = tpu.vector_load %arg4[%get3A_102] {strides = array<i32>} : memref<65536xf32, #tpu.memory_space<vmem>>, vector<16xf32>,
      %get3A_104 = vector.shape_cast %get3A_103 : vector<16xf32> to vector<16xf32>
      %add3A_105 = arith.addf %scan3A_71, %get3A_104 : vector<16xf32>
      %add3A_106 = arith.constant 80 : i32
      %add3A_107 = arith.addi %mul3A_76, %add3A_106 : i32
      %get3A_108 = arith.index_cast %add3A_107 : i32 to index
      %get3A_109 = tpu.vector_load %arg4[%get3A_108] {strides = array<i32>} : memref<65536xf32, #tpu.memory_space<vmem>>, vector<16xf32>,
      %get3A_110 = vector.shape_cast %get3A_109 : vector<16xf32> to vector<16xf32>
      %add3A_111 = arith.addf %scan3A_72, %get3A_110 : vector<16xf32>
      %add3A_112 = arith.constant 96 : i32
      %add3A_113 = arith.addi %mul3A_76, %add3A_112 : i32
      %get3A_114 = arith.index_cast %add3A_113 : i32 to index
      %get3A_115 = tpu.vector_load %arg4[%get3A_114] {strides = array<i32>} : memref<65536xf32, #tpu.memory_space<vmem>>, vector<16xf32>,
      %get3A_116 = vector.shape_cast %get3A_115 : vector<16xf32> to vector<16xf32>
      %add3A_117 = arith.addf %scan3A_73, %get3A_116 : vector<16xf32>
      %add3A_118 = arith.constant 112 : i32
      %add3A_119 = arith.addi %mul3A_76, %add3A_118 : i32
      %get3A_120 = arith.index_cast %add3A_119 : i32 to index
      %get3A_121 = tpu.vector_load %arg4[%get3A_120] {strides = array<i32>} : memref<65536xf32, #tpu.memory_space<vmem>>, vector<16xf32>,
      %get3A_122 = vector.shape_cast %get3A_121 : vector<16xf32> to vector<16xf32>
      %add3A_123 = arith.addf %scan3A_74, %get3A_122 : vector<16xf32>
      scf.yield %add3A_81, %add3A_87, %add3A_93, %add3A_99, %add3A_105, %add3A_111, %add3A_117, %add3A_123 : vector<16xf32>, vector<16xf32>, vector<16xf32>, vector<16xf32>, vector<16xf32>, vector<16xf32>, vector<16xf32>, vector<16xf32>
    }
    %scan3A_26 = arith.constant 512 : i32
    %mul3A_27 = arith.mulf %scan3A_25#0, %broadcast_in_dim3A_5 : vector<16xf32>
    %swap3A = arith.constant 0 : index
    %swap3A_28 = tpu.vector_load %arg5[%swap3A] {strides = array<i32>} : memref<128xf32, #tpu.memory_space<vmem>>, vector<16xf32>,
    %swap3A_29 = vector.shape_cast %swap3A_28 : vector<16xf32> to vector<16xf32>
    %swap3A_30 = vector.shape_cast %mul3A_27 : vector<16xf32> to vector<16xf32>
    tpu.vector_store %arg5[%swap3A], %swap3A_30 {strides = array<i32>} : memref<128xf32, #tpu.memory_space<vmem>>, vector<16xf32>,
    %mul3A_31 = arith.mulf %scan3A_25#1, %broadcast_in_dim3A_5 : vector<16xf32>
    %swap3A_32 = arith.constant 16 : index
    %swap3A_33 = tpu.vector_load %arg5[%swap3A_32] {strides = array<i32>} : memref<128xf32, #tpu.memory_space<vmem>>, vector<16xf32>,
    %swap3A_34 = vector.shape_cast %swap3A_33 : vector<16xf32> to vector<16xf32>
    %swap3A_35 = vector.shape_cast %mul3A_31 : vector<16xf32> to vector<16xf32>
    tpu.vector_store %arg5[%swap3A_32], %swap3A_35 {strides = array<i32>} : memref<128xf32, #tpu.memory_space<vmem>>, vector<16xf32>,
    %mul3A_36 = arith.mulf %scan3A_25#2, %broadcast_in_dim3A_5 : vector<16xf32>
    %swap3A_37 = arith.constant 32 : index
    %swap3A_38 = tpu.vector_load %arg5[%swap3A_37] {strides = array<i32>} : memref<128xf32, #tpu.memory_space<vmem>>, vector<16xf32>,
    %swap3A_39 = vector.shape_cast %swap3A_38 : vector<16xf32> to vector<16xf32>
    %swap3A_40 = vector.shape_cast %mul3A_36 : vector<16xf32> to vector<16xf32>
    tpu.vector_store %arg5[%swap3A_37], %swap3A_40 {strides = array<i32>} : memref<128xf32, #tpu.memory_space<vmem>>, vector<16xf32>,
    %mul3A_41 = arith.mulf %scan3A_25#3, %broadcast_in_dim3A_5 : vector<16xf32>
    %swap3A_42 = arith.constant 48 : index
    %swap3A_43 = tpu.vector_load %arg5[%swap3A_42] {strides = array<i32>} : memref<128xf32, #tpu.memory_space<vmem>>, vector<16xf32>,
    %swap3A_44 = vector.shape_cast %swap3A_43 : vector<16xf32> to vector<16xf32>
    %swap3A_45 = vector.shape_cast %mul3A_41 : vector<16xf32> to vector<16xf32>
    tpu.vector_store %arg5[%swap3A_42], %swap3A_45 {strides = array<i32>} : memref<128xf32, #tpu.memory_space<vmem>>, vector<16xf32>,
    %mul3A_46 = arith.mulf %scan3A_25#4, %broadcast_in_dim3A_5 : vector<16xf32>
    %swap3A_47 = arith.constant 64 : index
    %swap3A_48 = tpu.vector_load %arg5[%swap3A_47] {strides = array<i32>} : memref<128xf32, #tpu.memory_space<vmem>>, vector<16xf32>,
    %swap3A_49 = vector.shape_cast %swap3A_48 : vector<16xf32> to vector<16xf32>
    %swap3A_50 = vector.shape_cast %mul3A_46 : vector<16xf32> to vector<16xf32>
    tpu.vector_store %arg5[%swap3A_47], %swap3A_50 {strides = array<i32>} : memref<128xf32, #tpu.memory_space<vmem>>, vector<16xf32>,
    %mul3A_51 = arith.mulf %scan3A_25#5, %broadcast_in_dim3A_5 : vector<16xf32>
    %swap3A_52 = arith.constant 80 : index
    %swap3A_53 = tpu.vector_load %arg5[%swap3A_52] {strides = array<i32>} : memref<128xf32, #tpu.memory_space<vmem>>, vector<16xf32>,
    %swap3A_54 = vector.shape_cast %swap3A_53 : vector<16xf32> to vector<16xf32>
    %swap3A_55 = vector.shape_cast %mul3A_51 : vector<16xf32> to vector<16xf32>
    tpu.vector_store %arg5[%swap3A_52], %swap3A_55 {strides = array<i32>} : memref<128xf32, #tpu.memory_space<vmem>>, vector<16xf32>,
    %mul3A_56 = arith.mulf %scan3A_25#6, %broadcast_in_dim3A_5 : vector<16xf32>
    %swap3A_57 = arith.constant 96 : index
    %swap3A_58 = tpu.vector_load %arg5[%swap3A_57] {strides = array<i32>} : memref<128xf32, #tpu.memory_space<vmem>>, vector<16xf32>,
    %swap3A_59 = vector.shape_cast %swap3A_58 : vector<16xf32> to vector<16xf32>
    %swap3A_60 = vector.shape_cast %mul3A_56 : vector<16xf32> to vector<16xf32>
    tpu.vector_store %arg5[%swap3A_57], %swap3A_60 {strides = array<i32>} : memref<128xf32, #tpu.memory_space<vmem>>, vector<16xf32>,
    %mul3A_61 = arith.mulf %scan3A_25#7, %broadcast_in_dim3A_5 : vector<16xf32>
    %swap3A_62 = arith.constant 112 : index
    %swap3A_63 = tpu.vector_load %arg5[%swap3A_62] {strides = array<i32>} : memref<128xf32, #tpu.memory_space<vmem>>, vector<16xf32>,
    %swap3A_64 = vector.shape_cast %swap3A_63 : vector<16xf32> to vector<16xf32>
    %swap3A_65 = vector.shape_cast %mul3A_61 : vector<16xf32> to vector<16xf32>
    tpu.vector_store %arg5[%swap3A_62], %swap3A_65 {strides = array<i32>} : memref<128xf32, #tpu.memory_space<vmem>>, vector<16xf32>,
    "tpu.region"() ({
      %run_scoped3A = tpu.sem_alloc : memref<!tpu.dma_semaphore, #tpu.memory_space<semaphore_mem>>
      %dma_start3A = tpu.memref_slice %arg3[%mul3A_2] : memref<4096xf32, #tpu.memory_space<hbm>> -> memref<128xf32, #tpu.memory_space<hbm>>
      %dma_start3A_66 = tpu.memref_slice %arg3[%mul3A_2] : memref<4096xf32, #tpu.memory_space<hbm>> -> memref<128xf32, #tpu.memory_space<hbm>>
      tpu.enqueue_dma source(%arg5 : memref<128xf32, #tpu.memory_space<vmem>>) target(%dma_start3A_66 : memref<128xf32, #tpu.memory_space<hbm>>) target_semaphore(%run_scoped3A : memref<!tpu.dma_semaphore, #tpu.memory_space<semaphore_mem>>)
      %dma_wait3A = tpu.memref_slice %arg3[%mul3A_2] : memref<4096xf32, #tpu.memory_space<hbm>> -> memref<128xf32, #tpu.memory_space<hbm>>
      %dma_wait3A_67 = tpu.memref_slice %arg3[%mul3A_2] : memref<4096xf32, #tpu.memory_space<hbm>> -> memref<128xf32, #tpu.memory_space<hbm>>
      tpu.wait_dma2 semaphore(%run_scoped3A : memref<!tpu.dma_semaphore, #tpu.memory_space<semaphore_mem>>) src(%arg5 : memref<128xf32, #tpu.memory_space<vmem>>) dst(%dma_wait3A_67 : memref<128xf32, #tpu.memory_space<hbm>>)
      tpu.yield
    }) : () -> ()
    return
  }
}

module attributes {stable_mosaic.version = 14 : i64} {
  func.func @_enc_body(%arg0: i32, %arg1: memref<512x1xf32, #tpu.memory_space<vmem>>, %arg2: memref<1x128xf32, #tpu.memory_space<vmem>>, %arg3: memref<1x128xf32, #tpu.memory_space<vmem>>, %arg4: memref<128x128xf32, #tpu.memory_space<vmem>>, %arg5: memref<512x128xbf16, #tpu.memory_space<vmem>>) attributes {dimension_semantics = [#tpu.dimension_semantics<arbitrary>], iteration_bounds = array<i64: 8>, scalar_prefetch = 0 : i64, scratch_operands = 0 : i64, tpu.core_type = #tpu.core_type<tc>, window_params = [{transform_indices = @transform_0, window_bounds = array<i64: 512, 1>}, {pipeline_mode = #tpu.pipeline_mode<synchronous>, transform_indices = @transform_1, window_bounds = array<i64: 1, 128>}, {pipeline_mode = #tpu.pipeline_mode<synchronous>, transform_indices = @transform_2, window_bounds = array<i64: 1, 128>}, {pipeline_mode = #tpu.pipeline_mode<synchronous>, transform_indices = @transform_3, window_bounds = array<i64: 128, 128>}, {transform_indices = @transform_4, window_bounds = array<i64: 512, 128>}]} {
    %get3A = arith.constant 0 : index
    %get3A_0 = arith.constant 0 : index
    %get3A_1 = vector.load %arg1[%get3A, %get3A_0] : memref<512x1xf32, #tpu.memory_space<vmem>>, vector<512x1xf32>
    %get3A_2 = arith.constant 0 : index
    %get3A_3 = arith.constant 0 : index
    %get3A_4 = vector.load %arg2[%get3A_2, %get3A_3] : memref<1x128xf32, #tpu.memory_space<vmem>>, vector<1x128xf32>
    %mul3A = vector.broadcast %get3A_1 : vector<512x1xf32> to vector<512x128xf32>
    %mul3A_5 = vector.broadcast %get3A_4 : vector<1x128xf32> to vector<512x128xf32>
    %mul3A_6 = arith.mulf %mul3A, %mul3A_5 : vector<512x128xf32>
    %get3A_7 = arith.constant 0 : index
    %get3A_8 = arith.constant 0 : index
    %get3A_9 = vector.load %arg3[%get3A_7, %get3A_8] : memref<1x128xf32, #tpu.memory_space<vmem>>, vector<1x128xf32>
    %add3A = vector.broadcast %get3A_9 : vector<1x128xf32> to vector<512x128xf32>
    %add3A_10 = arith.addf %mul3A_6, %add3A : vector<512x128xf32>
    %get3A_11 = arith.constant 0 : index
    %get3A_12 = arith.constant 0 : index
    %get3A_13 = vector.load %arg4[%get3A_11, %get3A_12] : memref<128x128xf32, #tpu.memory_space<vmem>>, vector<128x128xf32>
    %dot_general3A = arith.constant dense<0.000000e+00> : vector<512x128xf32>
    %dot_general3A_14 = tpu.matmul %add3A_10, %get3A_13, %dot_general3A {dimension_numbers = #tpu.dot_dimension_numbers<[1], [0], [0], [1], [0, 0, 1, 1], [], []>, transpose_lhs_hint = false} : vector<512x128xf32>, vector<128x128xf32>, vector<512x128xf32> -> vector<512x128xf32>
    %convert_element_type3A = arith.truncf %dot_general3A_14 : vector<512x128xf32> to vector<512x128xbf16>
    %swap3A = arith.constant 0 : index
    %swap3A_15 = arith.constant 0 : index
    %swap3A_16 = vector.load %arg5[%swap3A, %swap3A_15] : memref<512x128xbf16, #tpu.memory_space<vmem>>, vector<512x128xbf16>
    tpu.vector_store %arg5[%swap3A, %swap3A_15], %convert_element_type3A {strides = array<i32>} : memref<512x128xbf16, #tpu.memory_space<vmem>>, vector<512x128xbf16>,
    return
  }
  func.func @transform_0(%arg0: i32) -> (i32, i32) {
    %c0_i32 = arith.constant 0 : i32
    %c0_i32_0 = arith.constant 0 : i32
    return %arg0, %c0_i32 : i32, i32
  }
  func.func @transform_1(%arg0: i32) -> (i32, i32) {
    %c0_i32 = arith.constant 0 : i32
    %c0_i32_0 = arith.constant 0 : i32
    %c0_i32_1 = arith.constant 0 : i32
    return %c0_i32, %c0_i32_0 : i32, i32
  }
  func.func @transform_2(%arg0: i32) -> (i32, i32) {
    %c0_i32 = arith.constant 0 : i32
    %c0_i32_0 = arith.constant 0 : i32
    %c0_i32_1 = arith.constant 0 : i32
    return %c0_i32, %c0_i32_0 : i32, i32
  }
  func.func @transform_3(%arg0: i32) -> (i32, i32) {
    %c0_i32 = arith.constant 0 : i32
    %c0_i32_0 = arith.constant 0 : i32
    %c0_i32_1 = arith.constant 0 : i32
    return %c0_i32, %c0_i32_0 : i32, i32
  }
  func.func @transform_4(%arg0: i32) -> (i32, i32) {
    %c0_i32 = arith.constant 0 : i32
    %c0_i32_0 = arith.constant 0 : i32
    return %arg0, %c0_i32 : i32, i32
  }
}

module attributes {stable_mosaic.version = 14 : i64} {
  func.func @_topk_body(%arg0: i32, %arg1: memref<1xf32, #tpu.memory_space<smem>>, %arg2: memref<1xi32, #tpu.memory_space<smem>>, %arg3: memref<256x4096xf32, #tpu.memory_space<vmem>>, %arg4: memref<4096x128xbf16, #tpu.memory_space<vmem>>, %arg5: memref<1x128xf32, #tpu.memory_space<vmem>>, %arg6: memref<256x4096xbf16, #tpu.memory_space<vmem>>, %arg7: memref<256x128xbf16, #tpu.memory_space<vmem>>, %arg8: memref<256x1xi32, #tpu.memory_space<vmem>>) attributes {dimension_semantics = [#tpu.dimension_semantics<arbitrary>], iteration_bounds = array<i64: 16>, scalar_prefetch = 2 : i64, scratch_operands = 1 : i64, tpu.core_type = #tpu.core_type<tc>, window_params = [{transform_indices = @transform_0, window_bounds = array<i64: 256, 4096>}, {pipeline_mode = #tpu.pipeline_mode<synchronous>, transform_indices = @transform_1, window_bounds = array<i64: 4096, 128>}, {pipeline_mode = #tpu.pipeline_mode<synchronous>, transform_indices = @transform_2, window_bounds = array<i64: 1, 128>}, {transform_indices = @transform_3, window_bounds = array<i64: 256, 4096>}, {transform_indices = @transform_4, window_bounds = array<i64: 256, 128>}]} {
    %get3A = arith.constant 0 : index
    %get3A_0 = arith.constant 0 : index
    %get3A_1 = vector.load %arg3[%get3A, %get3A_0] : memref<256x4096xf32, #tpu.memory_space<vmem>>, vector<256x4096xf32>
    %iota3A = tpu.iota {dimensions = array<i32: 1>} : vector<256x4096xi32>
    %get3A_2 = arith.constant 0 : index
    %get3A_3 = memref.load %arg1[%get3A_2] : memref<1xf32, #tpu.memory_space<smem>>
    %get3A_4 = arith.constant 0 : index
    %get3A_5 = memref.load %arg2[%get3A_4] : memref<1xi32, #tpu.memory_space<smem>>
    %min3A = arith.constant 32 : i32
    %min3A_6 = arith.minsi %get3A_5, %min3A : i32
    %convert_element_type3A = arith.sitofp %min3A_6 : i32 to f32
    %bitcast_convert_type3A = tpu.bitcast %get3A_1 : vector<256x4096xf32> -> vector<256x4096xi32>
    %shift_right_arithmetic3A = arith.constant 15 : i32
    %shift_right_arithmetic3A_7 = vector.broadcast %shift_right_arithmetic3A : i32 to vector<256x4096xi32>
    %shift_right_arithmetic3A_8 = arith.shrsi %bitcast_convert_type3A, %shift_right_arithmetic3A_7 : vector<256x4096xi32>
    %convert_element_type3A_9 = arith.trunci %shift_right_arithmetic3A_8 : vector<256x4096xi32> to vector<256x4096xi16>
    %broadcast_in_dim3A = arith.constant 0 : i32
    %broadcast_in_dim3A_10 = vector.broadcast %broadcast_in_dim3A : i32 to vector<256x1xi32>
    %add3A = arith.constant 16384 : i32
    %add3A_11 = vector.broadcast %add3A : i32 to vector<256x1xi32>
    %add3A_12 = arith.addi %broadcast_in_dim3A_10, %add3A_11 : vector<256x1xi32>
    %convert_element_type3A_13 = arith.trunci %add3A_12 : vector<256x1xi32> to vector<256x1xi16>
    %lt3A = vector.broadcast %convert_element_type3A_13 : vector<256x1xi16> to vector<256x4096xi16>
    %lt3A_14 = arith.cmpi slt, %convert_element_type3A_9, %lt3A : vector<256x4096xi16>
    %jit3A = arith.constant 1 : i16
    %jit3A_15 = arith.constant 0 : i16
    %broadcast_in_dim3A_16 = vector.broadcast %jit3A : i16 to vector<256x4096xi16>
    %broadcast_in_dim3A_17 = vector.broadcast %jit3A_15 : i16 to vector<256x4096xi16>
    %select_n3A = arith.select %lt3A_14, %broadcast_in_dim3A_16, %broadcast_in_dim3A_17 : vector<256x4096xi1>, vector<256x4096xi16>
    %slice3A = vector.extract_strided_slice %select_n3A {offsets = [0, 0], sizes = [256, 2048], strides = [1, 1]} : vector<256x4096xi16> to vector<256x2048xi16>
    %slice3A_18 = vector.extract_strided_slice %select_n3A {offsets = [0, 2048], sizes = [256, 2048], strides = [1, 1]} : vector<256x4096xi16> to vector<256x2048xi16>
    %add3A_19 = arith.addi %slice3A, %slice3A_18 : vector<256x2048xi16>
    %slice3A_20 = vector.extract_strided_slice %add3A_19 {offsets = [0, 0], sizes = [256, 1024], strides = [1, 1]} : vector<256x2048xi16> to vector<256x1024xi16>
    %slice3A_21 = vector.extract_strided_slice %add3A_19 {offsets = [0, 1024], sizes = [256, 1024], strides = [1, 1]} : vector<256x2048xi16> to vector<256x1024xi16>
    %add3A_22 = arith.addi %slice3A_20, %slice3A_21 : vector<256x1024xi16>
    %slice3A_23 = vector.extract_strided_slice %add3A_22 {offsets = [0, 0], sizes = [256, 512], strides = [1, 1]} : vector<256x1024xi16> to vector<256x512xi16>
    %slice3A_24 = vector.extract_strided_slice %add3A_22 {offsets = [0, 512], sizes = [256, 512], strides = [1, 1]} : vector<256x1024xi16> to vector<256x512xi16>
    %add3A_25 = arith.addi %slice3A_23, %slice3A_24 : vector<256x512xi16>
    %slice3A_26 = vector.extract_strided_slice %add3A_25 {offsets = [0, 0], sizes = [256, 256], strides = [1, 1]} : vector<256x512xi16> to vector<256x256xi16>
    %slice3A_27 = vector.extract_strided_slice %add3A_25 {offsets = [0, 256], sizes = [256, 256], strides = [1, 1]} : vector<256x512xi16> to vector<256x256xi16>
    %add3A_28 = arith.addi %slice3A_26, %slice3A_27 : vector<256x256xi16>
    %slice3A_29 = vector.extract_strided_slice %add3A_28 {offsets = [0, 0], sizes = [256, 128], strides = [1, 1]} : vector<256x256xi16> to vector<256x128xi16>
    %slice3A_30 = vector.extract_strided_slice %add3A_28 {offsets = [0, 128], sizes = [256, 128], strides = [1, 1]} : vector<256x256xi16> to vector<256x128xi16>
    %add3A_31 = arith.addi %slice3A_29, %slice3A_30 : vector<256x128xi16>
    %convert_element_type3A_32 = arith.sitofp %add3A_31 : vector<256x128xi16> to vector<256x128xf32>
    %reduce_sum3A = arith.constant dense<0.000000e+00> : vector<256xf32>
    %reduce_sum3A_33 = vector.multi_reduction <add>, %convert_element_type3A_32, %reduce_sum3A [1] : vector<256x128xf32> to vector<256xf32>
    %broadcast_in_dim3A_34 = vector.shape_cast %reduce_sum3A_33 : vector<256xf32> to vector<256x1xf32>
    %lt3A_35 = vector.broadcast %convert_element_type3A : f32 to vector<256x1xf32>
    %lt3A_36 = arith.cmpf olt, %broadcast_in_dim3A_34, %lt3A_35 : vector<256x1xf32>
    %select_n3A_37 = arith.select %lt3A_36, %add3A_12, %broadcast_in_dim3A_10 : vector<256x1xi1>, vector<256x1xi32>
    %add3A_38 = arith.constant 8192 : i32
    %add3A_39 = vector.broadcast %add3A_38 : i32 to vector<256x1xi32>
    %add3A_40 = arith.addi %select_n3A_37, %add3A_39 : vector<256x1xi32>
    %convert_element_type3A_41 = arith.trunci %add3A_40 : vector<256x1xi32> to vector<256x1xi16>
    %lt3A_42 = vector.broadcast %convert_element_type3A_41 : vector<256x1xi16> to vector<256x4096xi16>
    %lt3A_43 = arith.cmpi slt, %convert_element_type3A_9, %lt3A_42 : vector<256x4096xi16>
    %jit3A_44 = arith.constant 1 : i16
    %jit3A_45 = arith.constant 0 : i16
    %broadcast_in_dim3A_46 = vector.broadcast %jit3A_44 : i16 to vector<256x4096xi16>
    %broadcast_in_dim3A_47 = vector.broadcast %jit3A_45 : i16 to vector<256x4096xi16>
    %select_n3A_48 = arith.select %lt3A_43, %broadcast_in_dim3A_46, %broadcast_in_dim3A_47 : vector<256x4096xi1>, vector<256x4096xi16>
    %slice3A_49 = vector.extract_strided_slice %select_n3A_48 {offsets = [0, 0], sizes = [256, 2048], strides = [1, 1]} : vector<256x4096xi16> to vector<256x2048xi16>
    %slice3A_50 = vector.extract_strided_slice %select_n3A_48 {offsets = [0, 2048], sizes = [256, 2048], strides = [1, 1]} : vector<256x4096xi16> to vector<256x2048xi16>
    %add3A_51 = arith.addi %slice3A_49, %slice3A_50 : vector<256x2048xi16>
    %slice3A_52 = vector.extract_strided_slice %add3A_51 {offsets = [0, 0], sizes = [256, 1024], strides = [1, 1]} : vector<256x2048xi16> to vector<256x1024xi16>
    %slice3A_53 = vector.extract_strided_slice %add3A_51 {offsets = [0, 1024], sizes = [256, 1024], strides = [1, 1]} : vector<256x2048xi16> to vector<256x1024xi16>
    %add3A_54 = arith.addi %slice3A_52, %slice3A_53 : vector<256x1024xi16>
    %slice3A_55 = vector.extract_strided_slice %add3A_54 {offsets = [0, 0], sizes = [256, 512], strides = [1, 1]} : vector<256x1024xi16> to vector<256x512xi16>
    %slice3A_56 = vector.extract_strided_slice %add3A_54 {offsets = [0, 512], sizes = [256, 512], strides = [1, 1]} : vector<256x1024xi16> to vector<256x512xi16>
    %add3A_57 = arith.addi %slice3A_55, %slice3A_56 : vector<256x512xi16>
    %slice3A_58 = vector.extract_strided_slice %add3A_57 {offsets = [0, 0], sizes = [256, 256], strides = [1, 1]} : vector<256x512xi16> to vector<256x256xi16>
    %slice3A_59 = vector.extract_strided_slice %add3A_57 {offsets = [0, 256], sizes = [256, 256], strides = [1, 1]} : vector<256x512xi16> to vector<256x256xi16>
    %add3A_60 = arith.addi %slice3A_58, %slice3A_59 : vector<256x256xi16>
    %slice3A_61 = vector.extract_strided_slice %add3A_60 {offsets = [0, 0], sizes = [256, 128], strides = [1, 1]} : vector<256x256xi16> to vector<256x128xi16>
    %slice3A_62 = vector.extract_strided_slice %add3A_60 {offsets = [0, 128], sizes = [256, 128], strides = [1, 1]} : vector<256x256xi16> to vector<256x128xi16>
    %add3A_63 = arith.addi %slice3A_61, %slice3A_62 : vector<256x128xi16>
    %convert_element_type3A_64 = arith.sitofp %add3A_63 : vector<256x128xi16> to vector<256x128xf32>
    %reduce_sum3A_65 = arith.constant dense<0.000000e+00> : vector<256xf32>
    %reduce_sum3A_66 = vector.multi_reduction <add>, %convert_element_type3A_64, %reduce_sum3A_65 [1] : vector<256x128xf32> to vector<256xf32>
    %broadcast_in_dim3A_67 = vector.shape_cast %reduce_sum3A_66 : vector<256xf32> to vector<256x1xf32>
    %lt3A_68 = vector.broadcast %convert_element_type3A : f32 to vector<256x1xf32>
    %lt3A_69 = arith.cmpf olt, %broadcast_in_dim3A_67, %lt3A_68 : vector<256x1xf32>
    %select_n3A_70 = arith.select %lt3A_69, %add3A_40, %select_n3A_37 : vector<256x1xi1>, vector<256x1xi32>
    %add3A_71 = arith.constant 4096 : i32
    %add3A_72 = vector.broadcast %add3A_71 : i32 to vector<256x1xi32>
    %add3A_73 = arith.addi %select_n3A_70, %add3A_72 : vector<256x1xi32>
    %convert_element_type3A_74 = arith.trunci %add3A_73 : vector<256x1xi32> to vector<256x1xi16>
    %lt3A_75 = vector.broadcast %convert_element_type3A_74 : vector<256x1xi16> to vector<256x4096xi16>
    %lt3A_76 = arith.cmpi slt, %convert_element_type3A_9, %lt3A_75 : vector<256x4096xi16>
    %jit3A_77 = arith.constant 1 : i16
    %jit3A_78 = arith.constant 0 : i16
    %broadcast_in_dim3A_79 = vector.broadcast %jit3A_77 : i16 to vector<256x4096xi16>
    %broadcast_in_dim3A_80 = vector.broadcast %jit3A_78 : i16 to vector<256x4096xi16>
    %select_n3A_81 = arith.select %lt3A_76, %broadcast_in_dim3A_79, %broadcast_in_dim3A_80 : vector<256x4096xi1>, vector<256x4096xi16>
    %slice3A_82 = vector.extract_strided_slice %select_n3A_81 {offsets = [0, 0], sizes = [256, 2048], strides = [1, 1]} : vector<256x4096xi16> to vector<256x2048xi16>
    %slice3A_83 = vector.extract_strided_slice %select_n3A_81 {offsets = [0, 2048], sizes = [256, 2048], strides = [1, 1]} : vector<256x4096xi16> to vector<256x2048xi16>
    %add3A_84 = arith.addi %slice3A_82, %slice3A_83 : vector<256x2048xi16>
    %slice3A_85 = vector.extract_strided_slice %add3A_84 {offsets = [0, 0], sizes = [256, 1024], strides = [1, 1]} : vector<256x2048xi16> to vector<256x1024xi16>
    %slice3A_86 = vector.extract_strided_slice %add3A_84 {offsets = [0, 1024], sizes = [256, 1024], strides = [1, 1]} : vector<256x2048xi16> to vector<256x1024xi16>
    %add3A_87 = arith.addi %slice3A_85, %slice3A_86 : vector<256x1024xi16>
    %slice3A_88 = vector.extract_strided_slice %add3A_87 {offsets = [0, 0], sizes = [256, 512], strides = [1, 1]} : vector<256x1024xi16> to vector<256x512xi16>
    %slice3A_89 = vector.extract_strided_slice %add3A_87 {offsets = [0, 512], sizes = [256, 512], strides = [1, 1]} : vector<256x1024xi16> to vector<256x512xi16>
    %add3A_90 = arith.addi %slice3A_88, %slice3A_89 : vector<256x512xi16>
    %slice3A_91 = vector.extract_strided_slice %add3A_90 {offsets = [0, 0], sizes = [256, 256], strides = [1, 1]} : vector<256x512xi16> to vector<256x256xi16>
    %slice3A_92 = vector.extract_strided_slice %add3A_90 {offsets = [0, 256], sizes = [256, 256], strides = [1, 1]} : vector<256x512xi16> to vector<256x256xi16>
    %add3A_93 = arith.addi %slice3A_91, %slice3A_92 : vector<256x256xi16>
    %slice3A_94 = vector.extract_strided_slice %add3A_93 {offsets = [0, 0], sizes = [256, 128], strides = [1, 1]} : vector<256x256xi16> to vector<256x128xi16>
    %slice3A_95 = vector.extract_strided_slice %add3A_93 {offsets = [0, 128], sizes = [256, 128], strides = [1, 1]} : vector<256x256xi16> to vector<256x128xi16>
    %add3A_96 = arith.addi %slice3A_94, %slice3A_95 : vector<256x128xi16>
    %convert_element_type3A_97 = arith.sitofp %add3A_96 : vector<256x128xi16> to vector<256x128xf32>
    %reduce_sum3A_98 = arith.constant dense<0.000000e+00> : vector<256xf32>
    %reduce_sum3A_99 = vector.multi_reduction <add>, %convert_element_type3A_97, %reduce_sum3A_98 [1] : vector<256x128xf32> to vector<256xf32>
    %broadcast_in_dim3A_100 = vector.shape_cast %reduce_sum3A_99 : vector<256xf32> to vector<256x1xf32>
    %lt3A_101 = vector.broadcast %convert_element_type3A : f32 to vector<256x1xf32>
    %lt3A_102 = arith.cmpf olt, %broadcast_in_dim3A_100, %lt3A_101 : vector<256x1xf32>
    %select_n3A_103 = arith.select %lt3A_102, %add3A_73, %select_n3A_70 : vector<256x1xi1>, vector<256x1xi32>
    %add3A_104 = arith.constant 2048 : i32
    %add3A_105 = vector.broadcast %add3A_104 : i32 to vector<256x1xi32>
    %add3A_106 = arith.addi %select_n3A_103, %add3A_105 : vector<256x1xi32>
    %convert_element_type3A_107 = arith.trunci %add3A_106 : vector<256x1xi32> to vector<256x1xi16>
    %lt3A_108 = vector.broadcast %convert_element_type3A_107 : vector<256x1xi16> to vector<256x4096xi16>
    %lt3A_109 = arith.cmpi slt, %convert_element_type3A_9, %lt3A_108 : vector<256x4096xi16>
    %jit3A_110 = arith.constant 1 : i16
    %jit3A_111 = arith.constant 0 : i16
    %broadcast_in_dim3A_112 = vector.broadcast %jit3A_110 : i16 to vector<256x4096xi16>
    %broadcast_in_dim3A_113 = vector.broadcast %jit3A_111 : i16 to vector<256x4096xi16>
    %select_n3A_114 = arith.select %lt3A_109, %broadcast_in_dim3A_112, %broadcast_in_dim3A_113 : vector<256x4096xi1>, vector<256x4096xi16>
    %slice3A_115 = vector.extract_strided_slice %select_n3A_114 {offsets = [0, 0], sizes = [256, 2048], strides = [1, 1]} : vector<256x4096xi16> to vector<256x2048xi16>
    %slice3A_116 = vector.extract_strided_slice %select_n3A_114 {offsets = [0, 2048], sizes = [256, 2048], strides = [1, 1]} : vector<256x4096xi16> to vector<256x2048xi16>
    %add3A_117 = arith.addi %slice3A_115, %slice3A_116 : vector<256x2048xi16>
    %slice3A_118 = vector.extract_strided_slice %add3A_117 {offsets = [0, 0], sizes = [256, 1024], strides = [1, 1]} : vector<256x2048xi16> to vector<256x1024xi16>
    %slice3A_119 = vector.extract_strided_slice %add3A_117 {offsets = [0, 1024], sizes = [256, 1024], strides = [1, 1]} : vector<256x2048xi16> to vector<256x1024xi16>
    %add3A_120 = arith.addi %slice3A_118, %slice3A_119 : vector<256x1024xi16>
    %slice3A_121 = vector.extract_strided_slice %add3A_120 {offsets = [0, 0], sizes = [256, 512], strides = [1, 1]} : vector<256x1024xi16> to vector<256x512xi16>
    %slice3A_122 = vector.extract_strided_slice %add3A_120 {offsets = [0, 512], sizes = [256, 512], strides = [1, 1]} : vector<256x1024xi16> to vector<256x512xi16>
    %add3A_123 = arith.addi %slice3A_121, %slice3A_122 : vector<256x512xi16>
    %slice3A_124 = vector.extract_strided_slice %add3A_123 {offsets = [0, 0], sizes = [256, 256], strides = [1, 1]} : vector<256x512xi16> to vector<256x256xi16>
    %slice3A_125 = vector.extract_strided_slice %add3A_123 {offsets = [0, 256], sizes = [256, 256], strides = [1, 1]} : vector<256x512xi16> to vector<256x256xi16>
    %add3A_126 = arith.addi %slice3A_124, %slice3A_125 : vector<256x256xi16>
    %slice3A_127 = vector.extract_strided_slice %add3A_126 {offsets = [0, 0], sizes = [256, 128], strides = [1, 1]} : vector<256x256xi16> to vector<256x128xi16>
    %slice3A_128 = vector.extract_strided_slice %add3A_126 {offsets = [0, 128], sizes = [256, 128], strides = [1, 1]} : vector<256x256xi16> to vector<256x128xi16>
    %add3A_129 = arith.addi %slice3A_127, %slice3A_128 : vector<256x128xi16>
    %convert_element_type3A_130 = arith.sitofp %add3A_129 : vector<256x128xi16> to vector<256x128xf32>
    %reduce_sum3A_131 = arith.constant dense<0.000000e+00> : vector<256xf32>
    %reduce_sum3A_132 = vector.multi_reduction <add>, %convert_element_type3A_130, %reduce_sum3A_131 [1] : vector<256x128xf32> to vector<256xf32>
    %broadcast_in_dim3A_133 = vector.shape_cast %reduce_sum3A_132 : vector<256xf32> to vector<256x1xf32>
    %lt3A_134 = vector.broadcast %convert_element_type3A : f32 to vector<256x1xf32>
    %lt3A_135 = arith.cmpf olt, %broadcast_in_dim3A_133, %lt3A_134 : vector<256x1xf32>
    %select_n3A_136 = arith.select %lt3A_135, %add3A_106, %select_n3A_103 : vector<256x1xi1>, vector<256x1xi32>
    %add3A_137 = arith.constant 1024 : i32
    %add3A_138 = vector.broadcast %add3A_137 : i32 to vector<256x1xi32>
    %add3A_139 = arith.addi %select_n3A_136, %add3A_138 : vector<256x1xi32>
    %convert_element_type3A_140 = arith.trunci %add3A_139 : vector<256x1xi32> to vector<256x1xi16>
    %lt3A_141 = vector.broadcast %convert_element_type3A_140 : vector<256x1xi16> to vector<256x4096xi16>
    %lt3A_142 = arith.cmpi slt, %convert_element_type3A_9, %lt3A_141 : vector<256x4096xi16>
    %jit3A_143 = arith.constant 1 : i16
    %jit3A_144 = arith.constant 0 : i16
    %broadcast_in_dim3A_145 = vector.broadcast %jit3A_143 : i16 to vector<256x4096xi16>
    %broadcast_in_dim3A_146 = vector.broadcast %jit3A_144 : i16 to vector<256x4096xi16>
    %select_n3A_147 = arith.select %lt3A_142, %broadcast_in_dim3A_145, %broadcast_in_dim3A_146 : vector<256x4096xi1>, vector<256x4096xi16>
    %slice3A_148 = vector.extract_strided_slice %select_n3A_147 {offsets = [0, 0], sizes = [256, 2048], strides = [1, 1]} : vector<256x4096xi16> to vector<256x2048xi16>
    %slice3A_149 = vector.extract_strided_slice %select_n3A_147 {offsets = [0, 2048], sizes = [256, 2048], strides = [1, 1]} : vector<256x4096xi16> to vector<256x2048xi16>
    %add3A_150 = arith.addi %slice3A_148, %slice3A_149 : vector<256x2048xi16>
    %slice3A_151 = vector.extract_strided_slice %add3A_150 {offsets = [0, 0], sizes = [256, 1024], strides = [1, 1]} : vector<256x2048xi16> to vector<256x1024xi16>
    %slice3A_152 = vector.extract_strided_slice %add3A_150 {offsets = [0, 1024], sizes = [256, 1024], strides = [1, 1]} : vector<256x2048xi16> to vector<256x1024xi16>
    %add3A_153 = arith.addi %slice3A_151, %slice3A_152 : vector<256x1024xi16>
    %slice3A_154 = vector.extract_strided_slice %add3A_153 {offsets = [0, 0], sizes = [256, 512], strides = [1, 1]} : vector<256x1024xi16> to vector<256x512xi16>
    %slice3A_155 = vector.extract_strided_slice %add3A_153 {offsets = [0, 512], sizes = [256, 512], strides = [1, 1]} : vector<256x1024xi16> to vector<256x512xi16>
    %add3A_156 = arith.addi %slice3A_154, %slice3A_155 : vector<256x512xi16>
    %slice3A_157 = vector.extract_strided_slice %add3A_156 {offsets = [0, 0], sizes = [256, 256], strides = [1, 1]} : vector<256x512xi16> to vector<256x256xi16>
    %slice3A_158 = vector.extract_strided_slice %add3A_156 {offsets = [0, 256], sizes = [256, 256], strides = [1, 1]} : vector<256x512xi16> to vector<256x256xi16>
    %add3A_159 = arith.addi %slice3A_157, %slice3A_158 : vector<256x256xi16>
    %slice3A_160 = vector.extract_strided_slice %add3A_159 {offsets = [0, 0], sizes = [256, 128], strides = [1, 1]} : vector<256x256xi16> to vector<256x128xi16>
    %slice3A_161 = vector.extract_strided_slice %add3A_159 {offsets = [0, 128], sizes = [256, 128], strides = [1, 1]} : vector<256x256xi16> to vector<256x128xi16>
    %add3A_162 = arith.addi %slice3A_160, %slice3A_161 : vector<256x128xi16>
    %convert_element_type3A_163 = arith.sitofp %add3A_162 : vector<256x128xi16> to vector<256x128xf32>
    %reduce_sum3A_164 = arith.constant dense<0.000000e+00> : vector<256xf32>
    %reduce_sum3A_165 = vector.multi_reduction <add>, %convert_element_type3A_163, %reduce_sum3A_164 [1] : vector<256x128xf32> to vector<256xf32>
    %broadcast_in_dim3A_166 = vector.shape_cast %reduce_sum3A_165 : vector<256xf32> to vector<256x1xf32>
    %lt3A_167 = vector.broadcast %convert_element_type3A : f32 to vector<256x1xf32>
    %lt3A_168 = arith.cmpf olt, %broadcast_in_dim3A_166, %lt3A_167 : vector<256x1xf32>
    %select_n3A_169 = arith.select %lt3A_168, %add3A_139, %select_n3A_136 : vector<256x1xi1>, vector<256x1xi32>
    %add3A_170 = arith.constant 512 : i32
    %add3A_171 = vector.broadcast %add3A_170 : i32 to vector<256x1xi32>
    %add3A_172 = arith.addi %select_n3A_169, %add3A_171 : vector<256x1xi32>
    %convert_element_type3A_173 = arith.trunci %add3A_172 : vector<256x1xi32> to vector<256x1xi16>
    %lt3A_174 = vector.broadcast %convert_element_type3A_173 : vector<256x1xi16> to vector<256x4096xi16>
    %lt3A_175 = arith.cmpi slt, %convert_element_type3A_9, %lt3A_174 : vector<256x4096xi16>
    %jit3A_176 = arith.constant 1 : i16
    %jit3A_177 = arith.constant 0 : i16
    %broadcast_in_dim3A_178 = vector.broadcast %jit3A_176 : i16 to vector<256x4096xi16>
    %broadcast_in_dim3A_179 = vector.broadcast %jit3A_177 : i16 to vector<256x4096xi16>
    %select_n3A_180 = arith.select %lt3A_175, %broadcast_in_dim3A_178, %broadcast_in_dim3A_179 : vector<256x4096xi1>, vector<256x4096xi16>
    %slice3A_181 = vector.extract_strided_slice %select_n3A_180 {offsets = [0, 0], sizes = [256, 2048], strides = [1, 1]} : vector<256x4096xi16> to vector<256x2048xi16>
    %slice3A_182 = vector.extract_strided_slice %select_n3A_180 {offsets = [0, 2048], sizes = [256, 2048], strides = [1, 1]} : vector<256x4096xi16> to vector<256x2048xi16>
    %add3A_183 = arith.addi %slice3A_181, %slice3A_182 : vector<256x2048xi16>
    %slice3A_184 = vector.extract_strided_slice %add3A_183 {offsets = [0, 0], sizes = [256, 1024], strides = [1, 1]} : vector<256x2048xi16> to vector<256x1024xi16>
    %slice3A_185 = vector.extract_strided_slice %add3A_183 {offsets = [0, 1024], sizes = [256, 1024], strides = [1, 1]} : vector<256x2048xi16> to vector<256x1024xi16>
    %add3A_186 = arith.addi %slice3A_184, %slice3A_185 : vector<256x1024xi16>
    %slice3A_187 = vector.extract_strided_slice %add3A_186 {offsets = [0, 0], sizes = [256, 512], strides = [1, 1]} : vector<256x1024xi16> to vector<256x512xi16>
    %slice3A_188 = vector.extract_strided_slice %add3A_186 {offsets = [0, 512], sizes = [256, 512], strides = [1, 1]} : vector<256x1024xi16> to vector<256x512xi16>
    %add3A_189 = arith.addi %slice3A_187, %slice3A_188 : vector<256x512xi16>
    %slice3A_190 = vector.extract_strided_slice %add3A_189 {offsets = [0, 0], sizes = [256, 256], strides = [1, 1]} : vector<256x512xi16> to vector<256x256xi16>
    %slice3A_191 = vector.extract_strided_slice %add3A_189 {offsets = [0, 256], sizes = [256, 256], strides = [1, 1]} : vector<256x512xi16> to vector<256x256xi16>
    %add3A_192 = arith.addi %slice3A_190, %slice3A_191 : vector<256x256xi16>
    %slice3A_193 = vector.extract_strided_slice %add3A_192 {offsets = [0, 0], sizes = [256, 128], strides = [1, 1]} : vector<256x256xi16> to vector<256x128xi16>
    %slice3A_194 = vector.extract_strided_slice %add3A_192 {offsets = [0, 128], sizes = [256, 128], strides = [1, 1]} : vector<256x256xi16> to vector<256x128xi16>
    %add3A_195 = arith.addi %slice3A_193, %slice3A_194 : vector<256x128xi16>
    %convert_element_type3A_196 = arith.sitofp %add3A_195 : vector<256x128xi16> to vector<256x128xf32>
    %reduce_sum3A_197 = arith.constant dense<0.000000e+00> : vector<256xf32>
    %reduce_sum3A_198 = vector.multi_reduction <add>, %convert_element_type3A_196, %reduce_sum3A_197 [1] : vector<256x128xf32> to vector<256xf32>
    %broadcast_in_dim3A_199 = vector.shape_cast %reduce_sum3A_198 : vector<256xf32> to vector<256x1xf32>
    %lt3A_200 = vector.broadcast %convert_element_type3A : f32 to vector<256x1xf32>
    %lt3A_201 = arith.cmpf olt, %broadcast_in_dim3A_199, %lt3A_200 : vector<256x1xf32>
    %select_n3A_202 = arith.select %lt3A_201, %add3A_172, %select_n3A_169 : vector<256x1xi1>, vector<256x1xi32>
    %add3A_203 = arith.constant 256 : i32
    %add3A_204 = vector.broadcast %add3A_203 : i32 to vector<256x1xi32>
    %add3A_205 = arith.addi %select_n3A_202, %add3A_204 : vector<256x1xi32>
    %convert_element_type3A_206 = arith.trunci %add3A_205 : vector<256x1xi32> to vector<256x1xi16>
    %lt3A_207 = vector.broadcast %convert_element_type3A_206 : vector<256x1xi16> to vector<256x4096xi16>
    %lt3A_208 = arith.cmpi slt, %convert_element_type3A_9, %lt3A_207 : vector<256x4096xi16>
    %jit3A_209 = arith.constant 1 : i16
    %jit3A_210 = arith.constant 0 : i16
    %broadcast_in_dim3A_211 = vector.broadcast %jit3A_209 : i16 to vector<256x4096xi16>
    %broadcast_in_dim3A_212 = vector.broadcast %jit3A_210 : i16 to vector<256x4096xi16>
    %select_n3A_213 = arith.select %lt3A_208, %broadcast_in_dim3A_211, %broadcast_in_dim3A_212 : vector<256x4096xi1>, vector<256x4096xi16>
    %slice3A_214 = vector.extract_strided_slice %select_n3A_213 {offsets = [0, 0], sizes = [256, 2048], strides = [1, 1]} : vector<256x4096xi16> to vector<256x2048xi16>
    %slice3A_215 = vector.extract_strided_slice %select_n3A_213 {offsets = [0, 2048], sizes = [256, 2048], strides = [1, 1]} : vector<256x4096xi16> to vector<256x2048xi16>
    %add3A_216 = arith.addi %slice3A_214, %slice3A_215 : vector<256x2048xi16>
    %slice3A_217 = vector.extract_strided_slice %add3A_216 {offsets = [0, 0], sizes = [256, 1024], strides = [1, 1]} : vector<256x2048xi16> to vector<256x1024xi16>
    %slice3A_218 = vector.extract_strided_slice %add3A_216 {offsets = [0, 1024], sizes = [256, 1024], strides = [1, 1]} : vector<256x2048xi16> to vector<256x1024xi16>
    %add3A_219 = arith.addi %slice3A_217, %slice3A_218 : vector<256x1024xi16>
    %slice3A_220 = vector.extract_strided_slice %add3A_219 {offsets = [0, 0], sizes = [256, 512], strides = [1, 1]} : vector<256x1024xi16> to vector<256x512xi16>
    %slice3A_221 = vector.extract_strided_slice %add3A_219 {offsets = [0, 512], sizes = [256, 512], strides = [1, 1]} : vector<256x1024xi16> to vector<256x512xi16>
    %add3A_222 = arith.addi %slice3A_220, %slice3A_221 : vector<256x512xi16>
    %slice3A_223 = vector.extract_strided_slice %add3A_222 {offsets = [0, 0], sizes = [256, 256], strides = [1, 1]} : vector<256x512xi16> to vector<256x256xi16>
    %slice3A_224 = vector.extract_strided_slice %add3A_222 {offsets = [0, 256], sizes = [256, 256], strides = [1, 1]} : vector<256x512xi16> to vector<256x256xi16>
    %add3A_225 = arith.addi %slice3A_223, %slice3A_224 : vector<256x256xi16>
    %slice3A_226 = vector.extract_strided_slice %add3A_225 {offsets = [0, 0], sizes = [256, 128], strides = [1, 1]} : vector<256x256xi16> to vector<256x128xi16>
    %slice3A_227 = vector.extract_strided_slice %add3A_225 {offsets = [0, 128], sizes = [256, 128], strides = [1, 1]} : vector<256x256xi16> to vector<256x128xi16>
    %add3A_228 = arith.addi %slice3A_226, %slice3A_227 : vector<256x128xi16>
    %convert_element_type3A_229 = arith.sitofp %add3A_228 : vector<256x128xi16> to vector<256x128xf32>
    %reduce_sum3A_230 = arith.constant dense<0.000000e+00> : vector<256xf32>
    %reduce_sum3A_231 = vector.multi_reduction <add>, %convert_element_type3A_229, %reduce_sum3A_230 [1] : vector<256x128xf32> to vector<256xf32>
    %broadcast_in_dim3A_232 = vector.shape_cast %reduce_sum3A_231 : vector<256xf32> to vector<256x1xf32>
    %lt3A_233 = vector.broadcast %convert_element_type3A : f32 to vector<256x1xf32>
    %lt3A_234 = arith.cmpf olt, %broadcast_in_dim3A_232, %lt3A_233 : vector<256x1xf32>
    %select_n3A_235 = arith.select %lt3A_234, %add3A_205, %select_n3A_202 : vector<256x1xi1>, vector<256x1xi32>
    %add3A_236 = arith.constant 128 : i32
    %add3A_237 = vector.broadcast %add3A_236 : i32 to vector<256x1xi32>
    %add3A_238 = arith.addi %select_n3A_235, %add3A_237 : vector<256x1xi32>
    %convert_element_type3A_239 = arith.trunci %add3A_238 : vector<256x1xi32> to vector<256x1xi16>
    %lt3A_240 = vector.broadcast %convert_element_type3A_239 : vector<256x1xi16> to vector<256x4096xi16>
    %lt3A_241 = arith.cmpi slt, %convert_element_type3A_9, %lt3A_240 : vector<256x4096xi16>
    %jit3A_242 = arith.constant 1 : i16
    %jit3A_243 = arith.constant 0 : i16
    %broadcast_in_dim3A_244 = vector.broadcast %jit3A_242 : i16 to vector<256x4096xi16>
    %broadcast_in_dim3A_245 = vector.broadcast %jit3A_243 : i16 to vector<256x4096xi16>
    %select_n3A_246 = arith.select %lt3A_241, %broadcast_in_dim3A_244, %broadcast_in_dim3A_245 : vector<256x4096xi1>, vector<256x4096xi16>
    %slice3A_247 = vector.extract_strided_slice %select_n3A_246 {offsets = [0, 0], sizes = [256, 2048], strides = [1, 1]} : vector<256x4096xi16> to vector<256x2048xi16>
    %slice3A_248 = vector.extract_strided_slice %select_n3A_246 {offsets = [0, 2048], sizes = [256, 2048], strides = [1, 1]} : vector<256x4096xi16> to vector<256x2048xi16>
    %add3A_249 = arith.addi %slice3A_247, %slice3A_248 : vector<256x2048xi16>
    %slice3A_250 = vector.extract_strided_slice %add3A_249 {offsets = [0, 0], sizes = [256, 1024], strides = [1, 1]} : vector<256x2048xi16> to vector<256x1024xi16>
    %slice3A_251 = vector.extract_strided_slice %add3A_249 {offsets = [0, 1024], sizes = [256, 1024], strides = [1, 1]} : vector<256x2048xi16> to vector<256x1024xi16>
    %add3A_252 = arith.addi %slice3A_250, %slice3A_251 : vector<256x1024xi16>
    %slice3A_253 = vector.extract_strided_slice %add3A_252 {offsets = [0, 0], sizes = [256, 512], strides = [1, 1]} : vector<256x1024xi16> to vector<256x512xi16>
    %slice3A_254 = vector.extract_strided_slice %add3A_252 {offsets = [0, 512], sizes = [256, 512], strides = [1, 1]} : vector<256x1024xi16> to vector<256x512xi16>
    %add3A_255 = arith.addi %slice3A_253, %slice3A_254 : vector<256x512xi16>
    %slice3A_256 = vector.extract_strided_slice %add3A_255 {offsets = [0, 0], sizes = [256, 256], strides = [1, 1]} : vector<256x512xi16> to vector<256x256xi16>
    %slice3A_257 = vector.extract_strided_slice %add3A_255 {offsets = [0, 256], sizes = [256, 256], strides = [1, 1]} : vector<256x512xi16> to vector<256x256xi16>
    %add3A_258 = arith.addi %slice3A_256, %slice3A_257 : vector<256x256xi16>
    %slice3A_259 = vector.extract_strided_slice %add3A_258 {offsets = [0, 0], sizes = [256, 128], strides = [1, 1]} : vector<256x256xi16> to vector<256x128xi16>
    %slice3A_260 = vector.extract_strided_slice %add3A_258 {offsets = [0, 128], sizes = [256, 128], strides = [1, 1]} : vector<256x256xi16> to vector<256x128xi16>
    %add3A_261 = arith.addi %slice3A_259, %slice3A_260 : vector<256x128xi16>
    %convert_element_type3A_262 = arith.sitofp %add3A_261 : vector<256x128xi16> to vector<256x128xf32>
    %reduce_sum3A_263 = arith.constant dense<0.000000e+00> : vector<256xf32>
    %reduce_sum3A_264 = vector.multi_reduction <add>, %convert_element_type3A_262, %reduce_sum3A_263 [1] : vector<256x128xf32> to vector<256xf32>
    %broadcast_in_dim3A_265 = vector.shape_cast %reduce_sum3A_264 : vector<256xf32> to vector<256x1xf32>
    %lt3A_266 = vector.broadcast %convert_element_type3A : f32 to vector<256x1xf32>
    %lt3A_267 = arith.cmpf olt, %broadcast_in_dim3A_265, %lt3A_266 : vector<256x1xf32>
    %select_n3A_268 = arith.select %lt3A_267, %add3A_238, %select_n3A_235 : vector<256x1xi1>, vector<256x1xi32>
    %add3A_269 = arith.constant 64 : i32
    %add3A_270 = vector.broadcast %add3A_269 : i32 to vector<256x1xi32>
    %add3A_271 = arith.addi %select_n3A_268, %add3A_270 : vector<256x1xi32>
    %convert_element_type3A_272 = arith.trunci %add3A_271 : vector<256x1xi32> to vector<256x1xi16>
    %lt3A_273 = vector.broadcast %convert_element_type3A_272 : vector<256x1xi16> to vector<256x4096xi16>
    %lt3A_274 = arith.cmpi slt, %convert_element_type3A_9, %lt3A_273 : vector<256x4096xi16>
    %jit3A_275 = arith.constant 1 : i16
    %jit3A_276 = arith.constant 0 : i16
    %broadcast_in_dim3A_277 = vector.broadcast %jit3A_275 : i16 to vector<256x4096xi16>
    %broadcast_in_dim3A_278 = vector.broadcast %jit3A_276 : i16 to vector<256x4096xi16>
    %select_n3A_279 = arith.select %lt3A_274, %broadcast_in_dim3A_277, %broadcast_in_dim3A_278 : vector<256x4096xi1>, vector<256x4096xi16>
    %slice3A_280 = vector.extract_strided_slice %select_n3A_279 {offsets = [0, 0], sizes = [256, 2048], strides = [1, 1]} : vector<256x4096xi16> to vector<256x2048xi16>
    %slice3A_281 = vector.extract_strided_slice %select_n3A_279 {offsets = [0, 2048], sizes = [256, 2048], strides = [1, 1]} : vector<256x4096xi16> to vector<256x2048xi16>
    %add3A_282 = arith.addi %slice3A_280, %slice3A_281 : vector<256x2048xi16>
    %slice3A_283 = vector.extract_strided_slice %add3A_282 {offsets = [0, 0], sizes = [256, 1024], strides = [1, 1]} : vector<256x2048xi16> to vector<256x1024xi16>
    %slice3A_284 = vector.extract_strided_slice %add3A_282 {offsets = [0, 1024], sizes = [256, 1024], strides = [1, 1]} : vector<256x2048xi16> to vector<256x1024xi16>
    %add3A_285 = arith.addi %slice3A_283, %slice3A_284 : vector<256x1024xi16>
    %slice3A_286 = vector.extract_strided_slice %add3A_285 {offsets = [0, 0], sizes = [256, 512], strides = [1, 1]} : vector<256x1024xi16> to vector<256x512xi16>
    %slice3A_287 = vector.extract_strided_slice %add3A_285 {offsets = [0, 512], sizes = [256, 512], strides = [1, 1]} : vector<256x1024xi16> to vector<256x512xi16>
    %add3A_288 = arith.addi %slice3A_286, %slice3A_287 : vector<256x512xi16>
    %slice3A_289 = vector.extract_strided_slice %add3A_288 {offsets = [0, 0], sizes = [256, 256], strides = [1, 1]} : vector<256x512xi16> to vector<256x256xi16>
    %slice3A_290 = vector.extract_strided_slice %add3A_288 {offsets = [0, 256], sizes = [256, 256], strides = [1, 1]} : vector<256x512xi16> to vector<256x256xi16>
    %add3A_291 = arith.addi %slice3A_289, %slice3A_290 : vector<256x256xi16>
    %slice3A_292 = vector.extract_strided_slice %add3A_291 {offsets = [0, 0], sizes = [256, 128], strides = [1, 1]} : vector<256x256xi16> to vector<256x128xi16>
    %slice3A_293 = vector.extract_strided_slice %add3A_291 {offsets = [0, 128], sizes = [256, 128], strides = [1, 1]} : vector<256x256xi16> to vector<256x128xi16>
    %add3A_294 = arith.addi %slice3A_292, %slice3A_293 : vector<256x128xi16>
    %convert_element_type3A_295 = arith.sitofp %add3A_294 : vector<256x128xi16> to vector<256x128xf32>
    %reduce_sum3A_296 = arith.constant dense<0.000000e+00> : vector<256xf32>
    %reduce_sum3A_297 = vector.multi_reduction <add>, %convert_element_type3A_295, %reduce_sum3A_296 [1] : vector<256x128xf32> to vector<256xf32>
    %broadcast_in_dim3A_298 = vector.shape_cast %reduce_sum3A_297 : vector<256xf32> to vector<256x1xf32>
    %lt3A_299 = vector.broadcast %convert_element_type3A : f32 to vector<256x1xf32>
    %lt3A_300 = arith.cmpf olt, %broadcast_in_dim3A_298, %lt3A_299 : vector<256x1xf32>
    %select_n3A_301 = arith.select %lt3A_300, %add3A_271, %select_n3A_268 : vector<256x1xi1>, vector<256x1xi32>
    %add3A_302 = arith.constant 32 : i32
    %add3A_303 = vector.broadcast %add3A_302 : i32 to vector<256x1xi32>
    %add3A_304 = arith.addi %select_n3A_301, %add3A_303 : vector<256x1xi32>
    %convert_element_type3A_305 = arith.trunci %add3A_304 : vector<256x1xi32> to vector<256x1xi16>
    %lt3A_306 = vector.broadcast %convert_element_type3A_305 : vector<256x1xi16> to vector<256x4096xi16>
    %lt3A_307 = arith.cmpi slt, %convert_element_type3A_9, %lt3A_306 : vector<256x4096xi16>
    %jit3A_308 = arith.constant 1 : i16
    %jit3A_309 = arith.constant 0 : i16
    %broadcast_in_dim3A_310 = vector.broadcast %jit3A_308 : i16 to vector<256x4096xi16>
    %broadcast_in_dim3A_311 = vector.broadcast %jit3A_309 : i16 to vector<256x4096xi16>
    %select_n3A_312 = arith.select %lt3A_307, %broadcast_in_dim3A_310, %broadcast_in_dim3A_311 : vector<256x4096xi1>, vector<256x4096xi16>
    %slice3A_313 = vector.extract_strided_slice %select_n3A_312 {offsets = [0, 0], sizes = [256, 2048], strides = [1, 1]} : vector<256x4096xi16> to vector<256x2048xi16>
    %slice3A_314 = vector.extract_strided_slice %select_n3A_312 {offsets = [0, 2048], sizes = [256, 2048], strides = [1, 1]} : vector<256x4096xi16> to vector<256x2048xi16>
    %add3A_315 = arith.addi %slice3A_313, %slice3A_314 : vector<256x2048xi16>
    %slice3A_316 = vector.extract_strided_slice %add3A_315 {offsets = [0, 0], sizes = [256, 1024], strides = [1, 1]} : vector<256x2048xi16> to vector<256x1024xi16>
    %slice3A_317 = vector.extract_strided_slice %add3A_315 {offsets = [0, 1024], sizes = [256, 1024], strides = [1, 1]} : vector<256x2048xi16> to vector<256x1024xi16>
    %add3A_318 = arith.addi %slice3A_316, %slice3A_317 : vector<256x1024xi16>
    %slice3A_319 = vector.extract_strided_slice %add3A_318 {offsets = [0, 0], sizes = [256, 512], strides = [1, 1]} : vector<256x1024xi16> to vector<256x512xi16>
    %slice3A_320 = vector.extract_strided_slice %add3A_318 {offsets = [0, 512], sizes = [256, 512], strides = [1, 1]} : vector<256x1024xi16> to vector<256x512xi16>
    %add3A_321 = arith.addi %slice3A_319, %slice3A_320 : vector<256x512xi16>
    %slice3A_322 = vector.extract_strided_slice %add3A_321 {offsets = [0, 0], sizes = [256, 256], strides = [1, 1]} : vector<256x512xi16> to vector<256x256xi16>
    %slice3A_323 = vector.extract_strided_slice %add3A_321 {offsets = [0, 256], sizes = [256, 256], strides = [1, 1]} : vector<256x512xi16> to vector<256x256xi16>
    %add3A_324 = arith.addi %slice3A_322, %slice3A_323 : vector<256x256xi16>
    %slice3A_325 = vector.extract_strided_slice %add3A_324 {offsets = [0, 0], sizes = [256, 128], strides = [1, 1]} : vector<256x256xi16> to vector<256x128xi16>
    %slice3A_326 = vector.extract_strided_slice %add3A_324 {offsets = [0, 128], sizes = [256, 128], strides = [1, 1]} : vector<256x256xi16> to vector<256x128xi16>
    %add3A_327 = arith.addi %slice3A_325, %slice3A_326 : vector<256x128xi16>
    %convert_element_type3A_328 = arith.sitofp %add3A_327 : vector<256x128xi16> to vector<256x128xf32>
    %reduce_sum3A_329 = arith.constant dense<0.000000e+00> : vector<256xf32>
    %reduce_sum3A_330 = vector.multi_reduction <add>, %convert_element_type3A_328, %reduce_sum3A_329 [1] : vector<256x128xf32> to vector<256xf32>
    %broadcast_in_dim3A_331 = vector.shape_cast %reduce_sum3A_330 : vector<256xf32> to vector<256x1xf32>
    %lt3A_332 = vector.broadcast %convert_element_type3A : f32 to vector<256x1xf32>
    %lt3A_333 = arith.cmpf olt, %broadcast_in_dim3A_331, %lt3A_332 : vector<256x1xf32>
    %select_n3A_334 = arith.select %lt3A_333, %add3A_304, %select_n3A_301 : vector<256x1xi1>, vector<256x1xi32>
    %add3A_335 = arith.constant 16 : i32
    %add3A_336 = vector.broadcast %add3A_335 : i32 to vector<256x1xi32>
    %add3A_337 = arith.addi %select_n3A_334, %add3A_336 : vector<256x1xi32>
    %convert_element_type3A_338 = arith.trunci %add3A_337 : vector<256x1xi32> to vector<256x1xi16>
    %lt3A_339 = vector.broadcast %convert_element_type3A_338 : vector<256x1xi16> to vector<256x4096xi16>
    %lt3A_340 = arith.cmpi slt, %convert_element_type3A_9, %lt3A_339 : vector<256x4096xi16>
    %jit3A_341 = arith.constant 1 : i16
    %jit3A_342 = arith.constant 0 : i16
    %broadcast_in_dim3A_343 = vector.broadcast %jit3A_341 : i16 to vector<256x4096xi16>
    %broadcast_in_dim3A_344 = vector.broadcast %jit3A_342 : i16 to vector<256x4096xi16>
    %select_n3A_345 = arith.select %lt3A_340, %broadcast_in_dim3A_343, %broadcast_in_dim3A_344 : vector<256x4096xi1>, vector<256x4096xi16>
    %slice3A_346 = vector.extract_strided_slice %select_n3A_345 {offsets = [0, 0], sizes = [256, 2048], strides = [1, 1]} : vector<256x4096xi16> to vector<256x2048xi16>
    %slice3A_347 = vector.extract_strided_slice %select_n3A_345 {offsets = [0, 2048], sizes = [256, 2048], strides = [1, 1]} : vector<256x4096xi16> to vector<256x2048xi16>
    %add3A_348 = arith.addi %slice3A_346, %slice3A_347 : vector<256x2048xi16>
    %slice3A_349 = vector.extract_strided_slice %add3A_348 {offsets = [0, 0], sizes = [256, 1024], strides = [1, 1]} : vector<256x2048xi16> to vector<256x1024xi16>
    %slice3A_350 = vector.extract_strided_slice %add3A_348 {offsets = [0, 1024], sizes = [256, 1024], strides = [1, 1]} : vector<256x2048xi16> to vector<256x1024xi16>
    %add3A_351 = arith.addi %slice3A_349, %slice3A_350 : vector<256x1024xi16>
    %slice3A_352 = vector.extract_strided_slice %add3A_351 {offsets = [0, 0], sizes = [256, 512], strides = [1, 1]} : vector<256x1024xi16> to vector<256x512xi16>
    %slice3A_353 = vector.extract_strided_slice %add3A_351 {offsets = [0, 512], sizes = [256, 512], strides = [1, 1]} : vector<256x1024xi16> to vector<256x512xi16>
    %add3A_354 = arith.addi %slice3A_352, %slice3A_353 : vector<256x512xi16>
    %slice3A_355 = vector.extract_strided_slice %add3A_354 {offsets = [0, 0], sizes = [256, 256], strides = [1, 1]} : vector<256x512xi16> to vector<256x256xi16>
    %slice3A_356 = vector.extract_strided_slice %add3A_354 {offsets = [0, 256], sizes = [256, 256], strides = [1, 1]} : vector<256x512xi16> to vector<256x256xi16>
    %add3A_357 = arith.addi %slice3A_355, %slice3A_356 : vector<256x256xi16>
    %slice3A_358 = vector.extract_strided_slice %add3A_357 {offsets = [0, 0], sizes = [256, 128], strides = [1, 1]} : vector<256x256xi16> to vector<256x128xi16>
    %slice3A_359 = vector.extract_strided_slice %add3A_357 {offsets = [0, 128], sizes = [256, 128], strides = [1, 1]} : vector<256x256xi16> to vector<256x128xi16>
    %add3A_360 = arith.addi %slice3A_358, %slice3A_359 : vector<256x128xi16>
    %convert_element_type3A_361 = arith.sitofp %add3A_360 : vector<256x128xi16> to vector<256x128xf32>
    %reduce_sum3A_362 = arith.constant dense<0.000000e+00> : vector<256xf32>
    %reduce_sum3A_363 = vector.multi_reduction <add>, %convert_element_type3A_361, %reduce_sum3A_362 [1] : vector<256x128xf32> to vector<256xf32>
    %broadcast_in_dim3A_364 = vector.shape_cast %reduce_sum3A_363 : vector<256xf32> to vector<256x1xf32>
    %lt3A_365 = vector.broadcast %convert_element_type3A : f32 to vector<256x1xf32>
    %lt3A_366 = arith.cmpf olt, %broadcast_in_dim3A_364, %lt3A_365 : vector<256x1xf32>
    %select_n3A_367 = arith.select %lt3A_366, %add3A_337, %select_n3A_334 : vector<256x1xi1>, vector<256x1xi32>
    %add3A_368 = arith.constant 8 : i32
    %add3A_369 = vector.broadcast %add3A_368 : i32 to vector<256x1xi32>
    %add3A_370 = arith.addi %select_n3A_367, %add3A_369 : vector<256x1xi32>
    %convert_element_type3A_371 = arith.trunci %add3A_370 : vector<256x1xi32> to vector<256x1xi16>
    %lt3A_372 = vector.broadcast %convert_element_type3A_371 : vector<256x1xi16> to vector<256x4096xi16>
    %lt3A_373 = arith.cmpi slt, %convert_element_type3A_9, %lt3A_372 : vector<256x4096xi16>
    %jit3A_374 = arith.constant 1 : i16
    %jit3A_375 = arith.constant 0 : i16
    %broadcast_in_dim3A_376 = vector.broadcast %jit3A_374 : i16 to vector<256x4096xi16>
    %broadcast_in_dim3A_377 = vector.broadcast %jit3A_375 : i16 to vector<256x4096xi16>
    %select_n3A_378 = arith.select %lt3A_373, %broadcast_in_dim3A_376, %broadcast_in_dim3A_377 : vector<256x4096xi1>, vector<256x4096xi16>
    %slice3A_379 = vector.extract_strided_slice %select_n3A_378 {offsets = [0, 0], sizes = [256, 2048], strides = [1, 1]} : vector<256x4096xi16> to vector<256x2048xi16>
    %slice3A_380 = vector.extract_strided_slice %select_n3A_378 {offsets = [0, 2048], sizes = [256, 2048], strides = [1, 1]} : vector<256x4096xi16> to vector<256x2048xi16>
    %add3A_381 = arith.addi %slice3A_379, %slice3A_380 : vector<256x2048xi16>
    %slice3A_382 = vector.extract_strided_slice %add3A_381 {offsets = [0, 0], sizes = [256, 1024], strides = [1, 1]} : vector<256x2048xi16> to vector<256x1024xi16>
    %slice3A_383 = vector.extract_strided_slice %add3A_381 {offsets = [0, 1024], sizes = [256, 1024], strides = [1, 1]} : vector<256x2048xi16> to vector<256x1024xi16>
    %add3A_384 = arith.addi %slice3A_382, %slice3A_383 : vector<256x1024xi16>
    %slice3A_385 = vector.extract_strided_slice %add3A_384 {offsets = [0, 0], sizes = [256, 512], strides = [1, 1]} : vector<256x1024xi16> to vector<256x512xi16>
    %slice3A_386 = vector.extract_strided_slice %add3A_384 {offsets = [0, 512], sizes = [256, 512], strides = [1, 1]} : vector<256x1024xi16> to vector<256x512xi16>
    %add3A_387 = arith.addi %slice3A_385, %slice3A_386 : vector<256x512xi16>
    %slice3A_388 = vector.extract_strided_slice %add3A_387 {offsets = [0, 0], sizes = [256, 256], strides = [1, 1]} : vector<256x512xi16> to vector<256x256xi16>
    %slice3A_389 = vector.extract_strided_slice %add3A_387 {offsets = [0, 256], sizes = [256, 256], strides = [1, 1]} : vector<256x512xi16> to vector<256x256xi16>
    %add3A_390 = arith.addi %slice3A_388, %slice3A_389 : vector<256x256xi16>
    %slice3A_391 = vector.extract_strided_slice %add3A_390 {offsets = [0, 0], sizes = [256, 128], strides = [1, 1]} : vector<256x256xi16> to vector<256x128xi16>
    %slice3A_392 = vector.extract_strided_slice %add3A_390 {offsets = [0, 128], sizes = [256, 128], strides = [1, 1]} : vector<256x256xi16> to vector<256x128xi16>
    %add3A_393 = arith.addi %slice3A_391, %slice3A_392 : vector<256x128xi16>
    %convert_element_type3A_394 = arith.sitofp %add3A_393 : vector<256x128xi16> to vector<256x128xf32>
    %reduce_sum3A_395 = arith.constant dense<0.000000e+00> : vector<256xf32>
    %reduce_sum3A_396 = vector.multi_reduction <add>, %convert_element_type3A_394, %reduce_sum3A_395 [1] : vector<256x128xf32> to vector<256xf32>
    %broadcast_in_dim3A_397 = vector.shape_cast %reduce_sum3A_396 : vector<256xf32> to vector<256x1xf32>
    %lt3A_398 = vector.broadcast %convert_element_type3A : f32 to vector<256x1xf32>
    %lt3A_399 = arith.cmpf olt, %broadcast_in_dim3A_397, %lt3A_398 : vector<256x1xf32>
    %select_n3A_400 = arith.select %lt3A_399, %add3A_370, %select_n3A_367 : vector<256x1xi1>, vector<256x1xi32>
    %add3A_401 = arith.constant 4 : i32
    %add3A_402 = vector.broadcast %add3A_401 : i32 to vector<256x1xi32>
    %add3A_403 = arith.addi %select_n3A_400, %add3A_402 : vector<256x1xi32>
    %convert_element_type3A_404 = arith.trunci %add3A_403 : vector<256x1xi32> to vector<256x1xi16>
    %lt3A_405 = vector.broadcast %convert_element_type3A_404 : vector<256x1xi16> to vector<256x4096xi16>
    %lt3A_406 = arith.cmpi slt, %convert_element_type3A_9, %lt3A_405 : vector<256x4096xi16>
    %jit3A_407 = arith.constant 1 : i16
    %jit3A_408 = arith.constant 0 : i16
    %broadcast_in_dim3A_409 = vector.broadcast %jit3A_407 : i16 to vector<256x4096xi16>
    %broadcast_in_dim3A_410 = vector.broadcast %jit3A_408 : i16 to vector<256x4096xi16>
    %select_n3A_411 = arith.select %lt3A_406, %broadcast_in_dim3A_409, %broadcast_in_dim3A_410 : vector<256x4096xi1>, vector<256x4096xi16>
    %slice3A_412 = vector.extract_strided_slice %select_n3A_411 {offsets = [0, 0], sizes = [256, 2048], strides = [1, 1]} : vector<256x4096xi16> to vector<256x2048xi16>
    %slice3A_413 = vector.extract_strided_slice %select_n3A_411 {offsets = [0, 2048], sizes = [256, 2048], strides = [1, 1]} : vector<256x4096xi16> to vector<256x2048xi16>
    %add3A_414 = arith.addi %slice3A_412, %slice3A_413 : vector<256x2048xi16>
    %slice3A_415 = vector.extract_strided_slice %add3A_414 {offsets = [0, 0], sizes = [256, 1024], strides = [1, 1]} : vector<256x2048xi16> to vector<256x1024xi16>
    %slice3A_416 = vector.extract_strided_slice %add3A_414 {offsets = [0, 1024], sizes = [256, 1024], strides = [1, 1]} : vector<256x2048xi16> to vector<256x1024xi16>
    %add3A_417 = arith.addi %slice3A_415, %slice3A_416 : vector<256x1024xi16>
    %slice3A_418 = vector.extract_strided_slice %add3A_417 {offsets = [0, 0], sizes = [256, 512], strides = [1, 1]} : vector<256x1024xi16> to vector<256x512xi16>
    %slice3A_419 = vector.extract_strided_slice %add3A_417 {offsets = [0, 512], sizes = [256, 512], strides = [1, 1]} : vector<256x1024xi16> to vector<256x512xi16>
    %add3A_420 = arith.addi %slice3A_418, %slice3A_419 : vector<256x512xi16>
    %slice3A_421 = vector.extract_strided_slice %add3A_420 {offsets = [0, 0], sizes = [256, 256], strides = [1, 1]} : vector<256x512xi16> to vector<256x256xi16>
    %slice3A_422 = vector.extract_strided_slice %add3A_420 {offsets = [0, 256], sizes = [256, 256], strides = [1, 1]} : vector<256x512xi16> to vector<256x256xi16>
    %add3A_423 = arith.addi %slice3A_421, %slice3A_422 : vector<256x256xi16>
    %slice3A_424 = vector.extract_strided_slice %add3A_423 {offsets = [0, 0], sizes = [256, 128], strides = [1, 1]} : vector<256x256xi16> to vector<256x128xi16>
    %slice3A_425 = vector.extract_strided_slice %add3A_423 {offsets = [0, 128], sizes = [256, 128], strides = [1, 1]} : vector<256x256xi16> to vector<256x128xi16>
    %add3A_426 = arith.addi %slice3A_424, %slice3A_425 : vector<256x128xi16>
    %convert_element_type3A_427 = arith.sitofp %add3A_426 : vector<256x128xi16> to vector<256x128xf32>
    %reduce_sum3A_428 = arith.constant dense<0.000000e+00> : vector<256xf32>
    %reduce_sum3A_429 = vector.multi_reduction <add>, %convert_element_type3A_427, %reduce_sum3A_428 [1] : vector<256x128xf32> to vector<256xf32>
    %broadcast_in_dim3A_430 = vector.shape_cast %reduce_sum3A_429 : vector<256xf32> to vector<256x1xf32>
    %lt3A_431 = vector.broadcast %convert_element_type3A : f32 to vector<256x1xf32>
    %lt3A_432 = arith.cmpf olt, %broadcast_in_dim3A_430, %lt3A_431 : vector<256x1xf32>
    %select_n3A_433 = arith.select %lt3A_432, %add3A_403, %select_n3A_400 : vector<256x1xi1>, vector<256x1xi32>
    %add3A_434 = arith.constant 2 : i32
    %add3A_435 = vector.broadcast %add3A_434 : i32 to vector<256x1xi32>
    %add3A_436 = arith.addi %select_n3A_433, %add3A_435 : vector<256x1xi32>
    %convert_element_type3A_437 = arith.trunci %add3A_436 : vector<256x1xi32> to vector<256x1xi16>
    %lt3A_438 = vector.broadcast %convert_element_type3A_437 : vector<256x1xi16> to vector<256x4096xi16>
    %lt3A_439 = arith.cmpi slt, %convert_element_type3A_9, %lt3A_438 : vector<256x4096xi16>
    %jit3A_440 = arith.constant 1 : i16
    %jit3A_441 = arith.constant 0 : i16
    %broadcast_in_dim3A_442 = vector.broadcast %jit3A_440 : i16 to vector<256x4096xi16>
    %broadcast_in_dim3A_443 = vector.broadcast %jit3A_441 : i16 to vector<256x4096xi16>
    %select_n3A_444 = arith.select %lt3A_439, %broadcast_in_dim3A_442, %broadcast_in_dim3A_443 : vector<256x4096xi1>, vector<256x4096xi16>
    %slice3A_445 = vector.extract_strided_slice %select_n3A_444 {offsets = [0, 0], sizes = [256, 2048], strides = [1, 1]} : vector<256x4096xi16> to vector<256x2048xi16>
    %slice3A_446 = vector.extract_strided_slice %select_n3A_444 {offsets = [0, 2048], sizes = [256, 2048], strides = [1, 1]} : vector<256x4096xi16> to vector<256x2048xi16>
    %add3A_447 = arith.addi %slice3A_445, %slice3A_446 : vector<256x2048xi16>
    %slice3A_448 = vector.extract_strided_slice %add3A_447 {offsets = [0, 0], sizes = [256, 1024], strides = [1, 1]} : vector<256x2048xi16> to vector<256x1024xi16>
    %slice3A_449 = vector.extract_strided_slice %add3A_447 {offsets = [0, 1024], sizes = [256, 1024], strides = [1, 1]} : vector<256x2048xi16> to vector<256x1024xi16>
    %add3A_450 = arith.addi %slice3A_448, %slice3A_449 : vector<256x1024xi16>
    %slice3A_451 = vector.extract_strided_slice %add3A_450 {offsets = [0, 0], sizes = [256, 512], strides = [1, 1]} : vector<256x1024xi16> to vector<256x512xi16>
    %slice3A_452 = vector.extract_strided_slice %add3A_450 {offsets = [0, 512], sizes = [256, 512], strides = [1, 1]} : vector<256x1024xi16> to vector<256x512xi16>
    %add3A_453 = arith.addi %slice3A_451, %slice3A_452 : vector<256x512xi16>
    %slice3A_454 = vector.extract_strided_slice %add3A_453 {offsets = [0, 0], sizes = [256, 256], strides = [1, 1]} : vector<256x512xi16> to vector<256x256xi16>
    %slice3A_455 = vector.extract_strided_slice %add3A_453 {offsets = [0, 256], sizes = [256, 256], strides = [1, 1]} : vector<256x512xi16> to vector<256x256xi16>
    %add3A_456 = arith.addi %slice3A_454, %slice3A_455 : vector<256x256xi16>
    %slice3A_457 = vector.extract_strided_slice %add3A_456 {offsets = [0, 0], sizes = [256, 128], strides = [1, 1]} : vector<256x256xi16> to vector<256x128xi16>
    %slice3A_458 = vector.extract_strided_slice %add3A_456 {offsets = [0, 128], sizes = [256, 128], strides = [1, 1]} : vector<256x256xi16> to vector<256x128xi16>
    %add3A_459 = arith.addi %slice3A_457, %slice3A_458 : vector<256x128xi16>
    %convert_element_type3A_460 = arith.sitofp %add3A_459 : vector<256x128xi16> to vector<256x128xf32>
    %reduce_sum3A_461 = arith.constant dense<0.000000e+00> : vector<256xf32>
    %reduce_sum3A_462 = vector.multi_reduction <add>, %convert_element_type3A_460, %reduce_sum3A_461 [1] : vector<256x128xf32> to vector<256xf32>
    %broadcast_in_dim3A_463 = vector.shape_cast %reduce_sum3A_462 : vector<256xf32> to vector<256x1xf32>
    %lt3A_464 = vector.broadcast %convert_element_type3A : f32 to vector<256x1xf32>
    %lt3A_465 = arith.cmpf olt, %broadcast_in_dim3A_463, %lt3A_464 : vector<256x1xf32>
    %select_n3A_466 = arith.select %lt3A_465, %add3A_436, %select_n3A_433 : vector<256x1xi1>, vector<256x1xi32>
    %add3A_467 = arith.constant 1 : i32
    %add3A_468 = vector.broadcast %add3A_467 : i32 to vector<256x1xi32>
    %add3A_469 = arith.addi %select_n3A_466, %add3A_468 : vector<256x1xi32>
    %convert_element_type3A_470 = arith.trunci %add3A_469 : vector<256x1xi32> to vector<256x1xi16>
    %lt3A_471 = vector.broadcast %convert_element_type3A_470 : vector<256x1xi16> to vector<256x4096xi16>
    %lt3A_472 = arith.cmpi slt, %convert_element_type3A_9, %lt3A_471 : vector<256x4096xi16>
    %jit3A_473 = arith.constant 1 : i16
    %jit3A_474 = arith.constant 0 : i16
    %broadcast_in_dim3A_475 = vector.broadcast %jit3A_473 : i16 to vector<256x4096xi16>
    %broadcast_in_dim3A_476 = vector.broadcast %jit3A_474 : i16 to vector<256x4096xi16>
    %select_n3A_477 = arith.select %lt3A_472, %broadcast_in_dim3A_475, %broadcast_in_dim3A_476 : vector<256x4096xi1>, vector<256x4096xi16>
    %slice3A_478 = vector.extract_strided_slice %select_n3A_477 {offsets = [0, 0], sizes = [256, 2048], strides = [1, 1]} : vector<256x4096xi16> to vector<256x2048xi16>
    %slice3A_479 = vector.extract_strided_slice %select_n3A_477 {offsets = [0, 2048], sizes = [256, 2048], strides = [1, 1]} : vector<256x4096xi16> to vector<256x2048xi16>
    %add3A_480 = arith.addi %slice3A_478, %slice3A_479 : vector<256x2048xi16>
    %slice3A_481 = vector.extract_strided_slice %add3A_480 {offsets = [0, 0], sizes = [256, 1024], strides = [1, 1]} : vector<256x2048xi16> to vector<256x1024xi16>
    %slice3A_482 = vector.extract_strided_slice %add3A_480 {offsets = [0, 1024], sizes = [256, 1024], strides = [1, 1]} : vector<256x2048xi16> to vector<256x1024xi16>
    %add3A_483 = arith.addi %slice3A_481, %slice3A_482 : vector<256x1024xi16>
    %slice3A_484 = vector.extract_strided_slice %add3A_483 {offsets = [0, 0], sizes = [256, 512], strides = [1, 1]} : vector<256x1024xi16> to vector<256x512xi16>
    %slice3A_485 = vector.extract_strided_slice %add3A_483 {offsets = [0, 512], sizes = [256, 512], strides = [1, 1]} : vector<256x1024xi16> to vector<256x512xi16>
    %add3A_486 = arith.addi %slice3A_484, %slice3A_485 : vector<256x512xi16>
    %slice3A_487 = vector.extract_strided_slice %add3A_486 {offsets = [0, 0], sizes = [256, 256], strides = [1, 1]} : vector<256x512xi16> to vector<256x256xi16>
    %slice3A_488 = vector.extract_strided_slice %add3A_486 {offsets = [0, 256], sizes = [256, 256], strides = [1, 1]} : vector<256x512xi16> to vector<256x256xi16>
    %add3A_489 = arith.addi %slice3A_487, %slice3A_488 : vector<256x256xi16>
    %slice3A_490 = vector.extract_strided_slice %add3A_489 {offsets = [0, 0], sizes = [256, 128], strides = [1, 1]} : vector<256x256xi16> to vector<256x128xi16>
    %slice3A_491 = vector.extract_strided_slice %add3A_489 {offsets = [0, 128], sizes = [256, 128], strides = [1, 1]} : vector<256x256xi16> to vector<256x128xi16>
    %add3A_492 = arith.addi %slice3A_490, %slice3A_491 : vector<256x128xi16>
    %convert_element_type3A_493 = arith.sitofp %add3A_492 : vector<256x128xi16> to vector<256x128xf32>
    %reduce_sum3A_494 = arith.constant dense<0.000000e+00> : vector<256xf32>
    %reduce_sum3A_495 = vector.multi_reduction <add>, %convert_element_type3A_493, %reduce_sum3A_494 [1] : vector<256x128xf32> to vector<256xf32>
    %broadcast_in_dim3A_496 = vector.shape_cast %reduce_sum3A_495 : vector<256xf32> to vector<256x1xf32>
    %lt3A_497 = vector.broadcast %convert_element_type3A : f32 to vector<256x1xf32>
    %lt3A_498 = arith.cmpf olt, %broadcast_in_dim3A_496, %lt3A_497 : vector<256x1xf32>
    %select_n3A_499 = arith.select %lt3A_498, %add3A_469, %select_n3A_466 : vector<256x1xi1>, vector<256x1xi32>
    %convert_element_type3A_500 = arith.trunci %select_n3A_499 : vector<256x1xi32> to vector<256x1xi16>
    %eq3A = vector.broadcast %convert_element_type3A_500 : vector<256x1xi16> to vector<256x4096xi16>
    %eq3A_501 = arith.cmpi eq, %convert_element_type3A_9, %eq3A : vector<256x4096xi16>
    %lt3A_502 = vector.broadcast %convert_element_type3A_500 : vector<256x1xi16> to vector<256x4096xi16>
    %lt3A_503 = arith.cmpi slt, %convert_element_type3A_9, %lt3A_502 : vector<256x4096xi16>
    %jit3A_504 = arith.constant 1 : i16
    %jit3A_505 = arith.constant 0 : i16
    %broadcast_in_dim3A_506 = vector.broadcast %jit3A_504 : i16 to vector<256x4096xi16>
    %broadcast_in_dim3A_507 = vector.broadcast %jit3A_505 : i16 to vector<256x4096xi16>
    %select_n3A_508 = arith.select %lt3A_503, %broadcast_in_dim3A_506, %broadcast_in_dim3A_507 : vector<256x4096xi1>, vector<256x4096xi16>
    %slice3A_509 = vector.extract_strided_slice %select_n3A_508 {offsets = [0, 0], sizes = [256, 2048], strides = [1, 1]} : vector<256x4096xi16> to vector<256x2048xi16>
    %slice3A_510 = vector.extract_strided_slice %select_n3A_508 {offsets = [0, 2048], sizes = [256, 2048], strides = [1, 1]} : vector<256x4096xi16> to vector<256x2048xi16>
    %add3A_511 = arith.addi %slice3A_509, %slice3A_510 : vector<256x2048xi16>
    %slice3A_512 = vector.extract_strided_slice %add3A_511 {offsets = [0, 0], sizes = [256, 1024], strides = [1, 1]} : vector<256x2048xi16> to vector<256x1024xi16>
    %slice3A_513 = vector.extract_strided_slice %add3A_511 {offsets = [0, 1024], sizes = [256, 1024], strides = [1, 1]} : vector<256x2048xi16> to vector<256x1024xi16>
    %add3A_514 = arith.addi %slice3A_512, %slice3A_513 : vector<256x1024xi16>
    %slice3A_515 = vector.extract_strided_slice %add3A_514 {offsets = [0, 0], sizes = [256, 512], strides = [1, 1]} : vector<256x1024xi16> to vector<256x512xi16>
    %slice3A_516 = vector.extract_strided_slice %add3A_514 {offsets = [0, 512], sizes = [256, 512], strides = [1, 1]} : vector<256x1024xi16> to vector<256x512xi16>
    %add3A_517 = arith.addi %slice3A_515, %slice3A_516 : vector<256x512xi16>
    %slice3A_518 = vector.extract_strided_slice %add3A_517 {offsets = [0, 0], sizes = [256, 256], strides = [1, 1]} : vector<256x512xi16> to vector<256x256xi16>
    %slice3A_519 = vector.extract_strided_slice %add3A_517 {offsets = [0, 256], sizes = [256, 256], strides = [1, 1]} : vector<256x512xi16> to vector<256x256xi16>
    %add3A_520 = arith.addi %slice3A_518, %slice3A_519 : vector<256x256xi16>
    %slice3A_521 = vector.extract_strided_slice %add3A_520 {offsets = [0, 0], sizes = [256, 128], strides = [1, 1]} : vector<256x256xi16> to vector<256x128xi16>
    %slice3A_522 = vector.extract_strided_slice %add3A_520 {offsets = [0, 128], sizes = [256, 128], strides = [1, 1]} : vector<256x256xi16> to vector<256x128xi16>
    %add3A_523 = arith.addi %slice3A_521, %slice3A_522 : vector<256x128xi16>
    %convert_element_type3A_524 = arith.sitofp %add3A_523 : vector<256x128xi16> to vector<256x128xf32>
    %reduce_sum3A_525 = arith.constant dense<0.000000e+00> : vector<256xf32>
    %reduce_sum3A_526 = vector.multi_reduction <add>, %convert_element_type3A_524, %reduce_sum3A_525 [1] : vector<256x128xf32> to vector<256xf32>
    %broadcast_in_dim3A_527 = vector.shape_cast %reduce_sum3A_526 : vector<256xf32> to vector<256x1xf32>
    %sub3A = vector.broadcast %convert_element_type3A : f32 to vector<256x1xf32>
    %sub3A_528 = arith.subf %sub3A, %broadcast_in_dim3A_527 : vector<256x1xf32>
    %and3A = arith.constant 32767 : i32
    %and3A_529 = vector.broadcast %and3A : i32 to vector<256x4096xi32>
    %and3A_530 = arith.andi %bitcast_convert_type3A, %and3A_529 : vector<256x4096xi32>
    %convert_element_type3A_531 = arith.trunci %and3A_530 : vector<256x4096xi32> to vector<256x4096xi16>
    %jit3A_532 = arith.constant 32767 : i16
    %broadcast_in_dim3A_533 = vector.broadcast %jit3A_532 : i16 to vector<256x4096xi16>
    %select_n3A_534 = arith.select %eq3A_501, %convert_element_type3A_531, %broadcast_in_dim3A_533 : vector<256x4096xi1>, vector<256x4096xi16>
    %broadcast_in_dim3A_535 = arith.constant 0 : i32
    %broadcast_in_dim3A_536 = vector.broadcast %broadcast_in_dim3A_535 : i32 to vector<256x1xi32>
    %add3A_537 = arith.constant 16384 : i32
    %add3A_538 = vector.broadcast %add3A_537 : i32 to vector<256x1xi32>
    %add3A_539 = arith.addi %broadcast_in_dim3A_536, %add3A_538 : vector<256x1xi32>
    %convert_element_type3A_540 = arith.trunci %add3A_539 : vector<256x1xi32> to vector<256x1xi16>
    %lt3A_541 = vector.broadcast %convert_element_type3A_540 : vector<256x1xi16> to vector<256x4096xi16>
    %lt3A_542 = arith.cmpi slt, %select_n3A_534, %lt3A_541 : vector<256x4096xi16>
    %jit3A_543 = arith.constant 1 : i16
    %jit3A_544 = arith.constant 0 : i16
    %broadcast_in_dim3A_545 = vector.broadcast %jit3A_543 : i16 to vector<256x4096xi16>
    %broadcast_in_dim3A_546 = vector.broadcast %jit3A_544 : i16 to vector<256x4096xi16>
    %select_n3A_547 = arith.select %lt3A_542, %broadcast_in_dim3A_545, %broadcast_in_dim3A_546 : vector<256x4096xi1>, vector<256x4096xi16>
    %slice3A_548 = vector.extract_strided_slice %select_n3A_547 {offsets = [0, 0], sizes = [256, 2048], strides = [1, 1]} : vector<256x4096xi16> to vector<256x2048xi16>
    %slice3A_549 = vector.extract_strided_slice %select_n3A_547 {offsets = [0, 2048], sizes = [256, 2048], strides = [1, 1]} : vector<256x4096xi16> to vector<256x2048xi16>
    %add3A_550 = arith.addi %slice3A_548, %slice3A_549 : vector<256x2048xi16>
    %slice3A_551 = vector.extract_strided_slice %add3A_550 {offsets = [0, 0], sizes = [256, 1024], strides = [1, 1]} : vector<256x2048xi16> to vector<256x1024xi16>
    %slice3A_552 = vector.extract_strided_slice %add3A_550 {offsets = [0, 1024], sizes = [256, 1024], strides = [1, 1]} : vector<256x2048xi16> to vector<256x1024xi16>
    %add3A_553 = arith.addi %slice3A_551, %slice3A_552 : vector<256x1024xi16>
    %slice3A_554 = vector.extract_strided_slice %add3A_553 {offsets = [0, 0], sizes = [256, 512], strides = [1, 1]} : vector<256x1024xi16> to vector<256x512xi16>
    %slice3A_555 = vector.extract_strided_slice %add3A_553 {offsets = [0, 512], sizes = [256, 512], strides = [1, 1]} : vector<256x1024xi16> to vector<256x512xi16>
    %add3A_556 = arith.addi %slice3A_554, %slice3A_555 : vector<256x512xi16>
    %slice3A_557 = vector.extract_strided_slice %add3A_556 {offsets = [0, 0], sizes = [256, 256], strides = [1, 1]} : vector<256x512xi16> to vector<256x256xi16>
    %slice3A_558 = vector.extract_strided_slice %add3A_556 {offsets = [0, 256], sizes = [256, 256], strides = [1, 1]} : vector<256x512xi16> to vector<256x256xi16>
    %add3A_559 = arith.addi %slice3A_557, %slice3A_558 : vector<256x256xi16>
    %slice3A_560 = vector.extract_strided_slice %add3A_559 {offsets = [0, 0], sizes = [256, 128], strides = [1, 1]} : vector<256x256xi16> to vector<256x128xi16>
    %slice3A_561 = vector.extract_strided_slice %add3A_559 {offsets = [0, 128], sizes = [256, 128], strides = [1, 1]} : vector<256x256xi16> to vector<256x128xi16>
    %add3A_562 = arith.addi %slice3A_560, %slice3A_561 : vector<256x128xi16>
    %convert_element_type3A_563 = arith.sitofp %add3A_562 : vector<256x128xi16> to vector<256x128xf32>
    %reduce_sum3A_564 = arith.constant dense<0.000000e+00> : vector<256xf32>
    %reduce_sum3A_565 = vector.multi_reduction <add>, %convert_element_type3A_563, %reduce_sum3A_564 [1] : vector<256x128xf32> to vector<256xf32>
    %broadcast_in_dim3A_566 = vector.shape_cast %reduce_sum3A_565 : vector<256xf32> to vector<256x1xf32>
    %lt3A_567 = arith.cmpf olt, %broadcast_in_dim3A_566, %sub3A_528 : vector<256x1xf32>
    %select_n3A_568 = arith.select %lt3A_567, %add3A_539, %broadcast_in_dim3A_536 : vector<256x1xi1>, vector<256x1xi32>
    %add3A_569 = arith.constant 8192 : i32
    %add3A_570 = vector.broadcast %add3A_569 : i32 to vector<256x1xi32>
    %add3A_571 = arith.addi %select_n3A_568, %add3A_570 : vector<256x1xi32>
    %convert_element_type3A_572 = arith.trunci %add3A_571 : vector<256x1xi32> to vector<256x1xi16>
    %lt3A_573 = vector.broadcast %convert_element_type3A_572 : vector<256x1xi16> to vector<256x4096xi16>
    %lt3A_574 = arith.cmpi slt, %select_n3A_534, %lt3A_573 : vector<256x4096xi16>
    %jit3A_575 = arith.constant 1 : i16
    %jit3A_576 = arith.constant 0 : i16
    %broadcast_in_dim3A_577 = vector.broadcast %jit3A_575 : i16 to vector<256x4096xi16>
    %broadcast_in_dim3A_578 = vector.broadcast %jit3A_576 : i16 to vector<256x4096xi16>
    %select_n3A_579 = arith.select %lt3A_574, %broadcast_in_dim3A_577, %broadcast_in_dim3A_578 : vector<256x4096xi1>, vector<256x4096xi16>
    %slice3A_580 = vector.extract_strided_slice %select_n3A_579 {offsets = [0, 0], sizes = [256, 2048], strides = [1, 1]} : vector<256x4096xi16> to vector<256x2048xi16>
    %slice3A_581 = vector.extract_strided_slice %select_n3A_579 {offsets = [0, 2048], sizes = [256, 2048], strides = [1, 1]} : vector<256x4096xi16> to vector<256x2048xi16>
    %add3A_582 = arith.addi %slice3A_580, %slice3A_581 : vector<256x2048xi16>
    %slice3A_583 = vector.extract_strided_slice %add3A_582 {offsets = [0, 0], sizes = [256, 1024], strides = [1, 1]} : vector<256x2048xi16> to vector<256x1024xi16>
    %slice3A_584 = vector.extract_strided_slice %add3A_582 {offsets = [0, 1024], sizes = [256, 1024], strides = [1, 1]} : vector<256x2048xi16> to vector<256x1024xi16>
    %add3A_585 = arith.addi %slice3A_583, %slice3A_584 : vector<256x1024xi16>
    %slice3A_586 = vector.extract_strided_slice %add3A_585 {offsets = [0, 0], sizes = [256, 512], strides = [1, 1]} : vector<256x1024xi16> to vector<256x512xi16>
    %slice3A_587 = vector.extract_strided_slice %add3A_585 {offsets = [0, 512], sizes = [256, 512], strides = [1, 1]} : vector<256x1024xi16> to vector<256x512xi16>
    %add3A_588 = arith.addi %slice3A_586, %slice3A_587 : vector<256x512xi16>
    %slice3A_589 = vector.extract_strided_slice %add3A_588 {offsets = [0, 0], sizes = [256, 256], strides = [1, 1]} : vector<256x512xi16> to vector<256x256xi16>
    %slice3A_590 = vector.extract_strided_slice %add3A_588 {offsets = [0, 256], sizes = [256, 256], strides = [1, 1]} : vector<256x512xi16> to vector<256x256xi16>
    %add3A_591 = arith.addi %slice3A_589, %slice3A_590 : vector<256x256xi16>
    %slice3A_592 = vector.extract_strided_slice %add3A_591 {offsets = [0, 0], sizes = [256, 128], strides = [1, 1]} : vector<256x256xi16> to vector<256x128xi16>
    %slice3A_593 = vector.extract_strided_slice %add3A_591 {offsets = [0, 128], sizes = [256, 128], strides = [1, 1]} : vector<256x256xi16> to vector<256x128xi16>
    %add3A_594 = arith.addi %slice3A_592, %slice3A_593 : vector<256x128xi16>
    %convert_element_type3A_595 = arith.sitofp %add3A_594 : vector<256x128xi16> to vector<256x128xf32>
    %reduce_sum3A_596 = arith.constant dense<0.000000e+00> : vector<256xf32>
    %reduce_sum3A_597 = vector.multi_reduction <add>, %convert_element_type3A_595, %reduce_sum3A_596 [1] : vector<256x128xf32> to vector<256xf32>
    %broadcast_in_dim3A_598 = vector.shape_cast %reduce_sum3A_597 : vector<256xf32> to vector<256x1xf32>
    %lt3A_599 = arith.cmpf olt, %broadcast_in_dim3A_598, %sub3A_528 : vector<256x1xf32>
    %select_n3A_600 = arith.select %lt3A_599, %add3A_571, %select_n3A_568 : vector<256x1xi1>, vector<256x1xi32>
    %add3A_601 = arith.constant 4096 : i32
    %add3A_602 = vector.broadcast %add3A_601 : i32 to vector<256x1xi32>
    %add3A_603 = arith.addi %select_n3A_600, %add3A_602 : vector<256x1xi32>
    %convert_element_type3A_604 = arith.trunci %add3A_603 : vector<256x1xi32> to vector<256x1xi16>
    %lt3A_605 = vector.broadcast %convert_element_type3A_604 : vector<256x1xi16> to vector<256x4096xi16>
    %lt3A_606 = arith.cmpi slt, %select_n3A_534, %lt3A_605 : vector<256x4096xi16>
    %jit3A_607 = arith.constant 1 : i16
    %jit3A_608 = arith.constant 0 : i16
    %broadcast_in_dim3A_609 = vector.broadcast %jit3A_607 : i16 to vector<256x4096xi16>
    %broadcast_in_dim3A_610 = vector.broadcast %jit3A_608 : i16 to vector<256x4096xi16>
    %select_n3A_611 = arith.select %lt3A_606, %broadcast_in_dim3A_609, %broadcast_in_dim3A_610 : vector<256x4096xi1>, vector<256x4096xi16>
    %slice3A_612 = vector.extract_strided_slice %select_n3A_611 {offsets = [0, 0], sizes = [256, 2048], strides = [1, 1]} : vector<256x4096xi16> to vector<256x2048xi16>
    %slice3A_613 = vector.extract_strided_slice %select_n3A_611 {offsets = [0, 2048], sizes = [256, 2048], strides = [1, 1]} : vector<256x4096xi16> to vector<256x2048xi16>
    %add3A_614 = arith.addi %slice3A_612, %slice3A_613 : vector<256x2048xi16>
    %slice3A_615 = vector.extract_strided_slice %add3A_614 {offsets = [0, 0], sizes = [256, 1024], strides = [1, 1]} : vector<256x2048xi16> to vector<256x1024xi16>
    %slice3A_616 = vector.extract_strided_slice %add3A_614 {offsets = [0, 1024], sizes = [256, 1024], strides = [1, 1]} : vector<256x2048xi16> to vector<256x1024xi16>
    %add3A_617 = arith.addi %slice3A_615, %slice3A_616 : vector<256x1024xi16>
    %slice3A_618 = vector.extract_strided_slice %add3A_617 {offsets = [0, 0], sizes = [256, 512], strides = [1, 1]} : vector<256x1024xi16> to vector<256x512xi16>
    %slice3A_619 = vector.extract_strided_slice %add3A_617 {offsets = [0, 512], sizes = [256, 512], strides = [1, 1]} : vector<256x1024xi16> to vector<256x512xi16>
    %add3A_620 = arith.addi %slice3A_618, %slice3A_619 : vector<256x512xi16>
    %slice3A_621 = vector.extract_strided_slice %add3A_620 {offsets = [0, 0], sizes = [256, 256], strides = [1, 1]} : vector<256x512xi16> to vector<256x256xi16>
    %slice3A_622 = vector.extract_strided_slice %add3A_620 {offsets = [0, 256], sizes = [256, 256], strides = [1, 1]} : vector<256x512xi16> to vector<256x256xi16>
    %add3A_623 = arith.addi %slice3A_621, %slice3A_622 : vector<256x256xi16>
    %slice3A_624 = vector.extract_strided_slice %add3A_623 {offsets = [0, 0], sizes = [256, 128], strides = [1, 1]} : vector<256x256xi16> to vector<256x128xi16>
    %slice3A_625 = vector.extract_strided_slice %add3A_623 {offsets = [0, 128], sizes = [256, 128], strides = [1, 1]} : vector<256x256xi16> to vector<256x128xi16>
    %add3A_626 = arith.addi %slice3A_624, %slice3A_625 : vector<256x128xi16>
    %convert_element_type3A_627 = arith.sitofp %add3A_626 : vector<256x128xi16> to vector<256x128xf32>
    %reduce_sum3A_628 = arith.constant dense<0.000000e+00> : vector<256xf32>
    %reduce_sum3A_629 = vector.multi_reduction <add>, %convert_element_type3A_627, %reduce_sum3A_628 [1] : vector<256x128xf32> to vector<256xf32>
    %broadcast_in_dim3A_630 = vector.shape_cast %reduce_sum3A_629 : vector<256xf32> to vector<256x1xf32>
    %lt3A_631 = arith.cmpf olt, %broadcast_in_dim3A_630, %sub3A_528 : vector<256x1xf32>
    %select_n3A_632 = arith.select %lt3A_631, %add3A_603, %select_n3A_600 : vector<256x1xi1>, vector<256x1xi32>
    %add3A_633 = arith.constant 2048 : i32
    %add3A_634 = vector.broadcast %add3A_633 : i32 to vector<256x1xi32>
    %add3A_635 = arith.addi %select_n3A_632, %add3A_634 : vector<256x1xi32>
    %convert_element_type3A_636 = arith.trunci %add3A_635 : vector<256x1xi32> to vector<256x1xi16>
    %lt3A_637 = vector.broadcast %convert_element_type3A_636 : vector<256x1xi16> to vector<256x4096xi16>
    %lt3A_638 = arith.cmpi slt, %select_n3A_534, %lt3A_637 : vector<256x4096xi16>
    %jit3A_639 = arith.constant 1 : i16
    %jit3A_640 = arith.constant 0 : i16
    %broadcast_in_dim3A_641 = vector.broadcast %jit3A_639 : i16 to vector<256x4096xi16>
    %broadcast_in_dim3A_642 = vector.broadcast %jit3A_640 : i16 to vector<256x4096xi16>
    %select_n3A_643 = arith.select %lt3A_638, %broadcast_in_dim3A_641, %broadcast_in_dim3A_642 : vector<256x4096xi1>, vector<256x4096xi16>
    %slice3A_644 = vector.extract_strided_slice %select_n3A_643 {offsets = [0, 0], sizes = [256, 2048], strides = [1, 1]} : vector<256x4096xi16> to vector<256x2048xi16>
    %slice3A_645 = vector.extract_strided_slice %select_n3A_643 {offsets = [0, 2048], sizes = [256, 2048], strides = [1, 1]} : vector<256x4096xi16> to vector<256x2048xi16>
    %add3A_646 = arith.addi %slice3A_644, %slice3A_645 : vector<256x2048xi16>
    %slice3A_647 = vector.extract_strided_slice %add3A_646 {offsets = [0, 0], sizes = [256, 1024], strides = [1, 1]} : vector<256x2048xi16> to vector<256x1024xi16>
    %slice3A_648 = vector.extract_strided_slice %add3A_646 {offsets = [0, 1024], sizes = [256, 1024], strides = [1, 1]} : vector<256x2048xi16> to vector<256x1024xi16>
    %add3A_649 = arith.addi %slice3A_647, %slice3A_648 : vector<256x1024xi16>
    %slice3A_650 = vector.extract_strided_slice %add3A_649 {offsets = [0, 0], sizes = [256, 512], strides = [1, 1]} : vector<256x1024xi16> to vector<256x512xi16>
    %slice3A_651 = vector.extract_strided_slice %add3A_649 {offsets = [0, 512], sizes = [256, 512], strides = [1, 1]} : vector<256x1024xi16> to vector<256x512xi16>
    %add3A_652 = arith.addi %slice3A_650, %slice3A_651 : vector<256x512xi16>
    %slice3A_653 = vector.extract_strided_slice %add3A_652 {offsets = [0, 0], sizes = [256, 256], strides = [1, 1]} : vector<256x512xi16> to vector<256x256xi16>
    %slice3A_654 = vector.extract_strided_slice %add3A_652 {offsets = [0, 256], sizes = [256, 256], strides = [1, 1]} : vector<256x512xi16> to vector<256x256xi16>
    %add3A_655 = arith.addi %slice3A_653, %slice3A_654 : vector<256x256xi16>
    %slice3A_656 = vector.extract_strided_slice %add3A_655 {offsets = [0, 0], sizes = [256, 128], strides = [1, 1]} : vector<256x256xi16> to vector<256x128xi16>
    %slice3A_657 = vector.extract_strided_slice %add3A_655 {offsets = [0, 128], sizes = [256, 128], strides = [1, 1]} : vector<256x256xi16> to vector<256x128xi16>
    %add3A_658 = arith.addi %slice3A_656, %slice3A_657 : vector<256x128xi16>
    %convert_element_type3A_659 = arith.sitofp %add3A_658 : vector<256x128xi16> to vector<256x128xf32>
    %reduce_sum3A_660 = arith.constant dense<0.000000e+00> : vector<256xf32>
    %reduce_sum3A_661 = vector.multi_reduction <add>, %convert_element_type3A_659, %reduce_sum3A_660 [1] : vector<256x128xf32> to vector<256xf32>
    %broadcast_in_dim3A_662 = vector.shape_cast %reduce_sum3A_661 : vector<256xf32> to vector<256x1xf32>
    %lt3A_663 = arith.cmpf olt, %broadcast_in_dim3A_662, %sub3A_528 : vector<256x1xf32>
    %select_n3A_664 = arith.select %lt3A_663, %add3A_635, %select_n3A_632 : vector<256x1xi1>, vector<256x1xi32>
    %add3A_665 = arith.constant 1024 : i32
    %add3A_666 = vector.broadcast %add3A_665 : i32 to vector<256x1xi32>
    %add3A_667 = arith.addi %select_n3A_664, %add3A_666 : vector<256x1xi32>
    %convert_element_type3A_668 = arith.trunci %add3A_667 : vector<256x1xi32> to vector<256x1xi16>
    %lt3A_669 = vector.broadcast %convert_element_type3A_668 : vector<256x1xi16> to vector<256x4096xi16>
    %lt3A_670 = arith.cmpi slt, %select_n3A_534, %lt3A_669 : vector<256x4096xi16>
    %jit3A_671 = arith.constant 1 : i16
    %jit3A_672 = arith.constant 0 : i16
    %broadcast_in_dim3A_673 = vector.broadcast %jit3A_671 : i16 to vector<256x4096xi16>
    %broadcast_in_dim3A_674 = vector.broadcast %jit3A_672 : i16 to vector<256x4096xi16>
    %select_n3A_675 = arith.select %lt3A_670, %broadcast_in_dim3A_673, %broadcast_in_dim3A_674 : vector<256x4096xi1>, vector<256x4096xi16>
    %slice3A_676 = vector.extract_strided_slice %select_n3A_675 {offsets = [0, 0], sizes = [256, 2048], strides = [1, 1]} : vector<256x4096xi16> to vector<256x2048xi16>
    %slice3A_677 = vector.extract_strided_slice %select_n3A_675 {offsets = [0, 2048], sizes = [256, 2048], strides = [1, 1]} : vector<256x4096xi16> to vector<256x2048xi16>
    %add3A_678 = arith.addi %slice3A_676, %slice3A_677 : vector<256x2048xi16>
    %slice3A_679 = vector.extract_strided_slice %add3A_678 {offsets = [0, 0], sizes = [256, 1024], strides = [1, 1]} : vector<256x2048xi16> to vector<256x1024xi16>
    %slice3A_680 = vector.extract_strided_slice %add3A_678 {offsets = [0, 1024], sizes = [256, 1024], strides = [1, 1]} : vector<256x2048xi16> to vector<256x1024xi16>
    %add3A_681 = arith.addi %slice3A_679, %slice3A_680 : vector<256x1024xi16>
    %slice3A_682 = vector.extract_strided_slice %add3A_681 {offsets = [0, 0], sizes = [256, 512], strides = [1, 1]} : vector<256x1024xi16> to vector<256x512xi16>
    %slice3A_683 = vector.extract_strided_slice %add3A_681 {offsets = [0, 512], sizes = [256, 512], strides = [1, 1]} : vector<256x1024xi16> to vector<256x512xi16>
    %add3A_684 = arith.addi %slice3A_682, %slice3A_683 : vector<256x512xi16>
    %slice3A_685 = vector.extract_strided_slice %add3A_684 {offsets = [0, 0], sizes = [256, 256], strides = [1, 1]} : vector<256x512xi16> to vector<256x256xi16>
    %slice3A_686 = vector.extract_strided_slice %add3A_684 {offsets = [0, 256], sizes = [256, 256], strides = [1, 1]} : vector<256x512xi16> to vector<256x256xi16>
    %add3A_687 = arith.addi %slice3A_685, %slice3A_686 : vector<256x256xi16>
    %slice3A_688 = vector.extract_strided_slice %add3A_687 {offsets = [0, 0], sizes = [256, 128], strides = [1, 1]} : vector<256x256xi16> to vector<256x128xi16>
    %slice3A_689 = vector.extract_strided_slice %add3A_687 {offsets = [0, 128], sizes = [256, 128], strides = [1, 1]} : vector<256x256xi16> to vector<256x128xi16>
    %add3A_690 = arith.addi %slice3A_688, %slice3A_689 : vector<256x128xi16>
    %convert_element_type3A_691 = arith.sitofp %add3A_690 : vector<256x128xi16> to vector<256x128xf32>
    %reduce_sum3A_692 = arith.constant dense<0.000000e+00> : vector<256xf32>
    %reduce_sum3A_693 = vector.multi_reduction <add>, %convert_element_type3A_691, %reduce_sum3A_692 [1] : vector<256x128xf32> to vector<256xf32>
    %broadcast_in_dim3A_694 = vector.shape_cast %reduce_sum3A_693 : vector<256xf32> to vector<256x1xf32>
    %lt3A_695 = arith.cmpf olt, %broadcast_in_dim3A_694, %sub3A_528 : vector<256x1xf32>
    %select_n3A_696 = arith.select %lt3A_695, %add3A_667, %select_n3A_664 : vector<256x1xi1>, vector<256x1xi32>
    %add3A_697 = arith.constant 512 : i32
    %add3A_698 = vector.broadcast %add3A_697 : i32 to vector<256x1xi32>
    %add3A_699 = arith.addi %select_n3A_696, %add3A_698 : vector<256x1xi32>
    %convert_element_type3A_700 = arith.trunci %add3A_699 : vector<256x1xi32> to vector<256x1xi16>
    %lt3A_701 = vector.broadcast %convert_element_type3A_700 : vector<256x1xi16> to vector<256x4096xi16>
    %lt3A_702 = arith.cmpi slt, %select_n3A_534, %lt3A_701 : vector<256x4096xi16>
    %jit3A_703 = arith.constant 1 : i16
    %jit3A_704 = arith.constant 0 : i16
    %broadcast_in_dim3A_705 = vector.broadcast %jit3A_703 : i16 to vector<256x4096xi16>
    %broadcast_in_dim3A_706 = vector.broadcast %jit3A_704 : i16 to vector<256x4096xi16>
    %select_n3A_707 = arith.select %lt3A_702, %broadcast_in_dim3A_705, %broadcast_in_dim3A_706 : vector<256x4096xi1>, vector<256x4096xi16>
    %slice3A_708 = vector.extract_strided_slice %select_n3A_707 {offsets = [0, 0], sizes = [256, 2048], strides = [1, 1]} : vector<256x4096xi16> to vector<256x2048xi16>
    %slice3A_709 = vector.extract_strided_slice %select_n3A_707 {offsets = [0, 2048], sizes = [256, 2048], strides = [1, 1]} : vector<256x4096xi16> to vector<256x2048xi16>
    %add3A_710 = arith.addi %slice3A_708, %slice3A_709 : vector<256x2048xi16>
    %slice3A_711 = vector.extract_strided_slice %add3A_710 {offsets = [0, 0], sizes = [256, 1024], strides = [1, 1]} : vector<256x2048xi16> to vector<256x1024xi16>
    %slice3A_712 = vector.extract_strided_slice %add3A_710 {offsets = [0, 1024], sizes = [256, 1024], strides = [1, 1]} : vector<256x2048xi16> to vector<256x1024xi16>
    %add3A_713 = arith.addi %slice3A_711, %slice3A_712 : vector<256x1024xi16>
    %slice3A_714 = vector.extract_strided_slice %add3A_713 {offsets = [0, 0], sizes = [256, 512], strides = [1, 1]} : vector<256x1024xi16> to vector<256x512xi16>
    %slice3A_715 = vector.extract_strided_slice %add3A_713 {offsets = [0, 512], sizes = [256, 512], strides = [1, 1]} : vector<256x1024xi16> to vector<256x512xi16>
    %add3A_716 = arith.addi %slice3A_714, %slice3A_715 : vector<256x512xi16>
    %slice3A_717 = vector.extract_strided_slice %add3A_716 {offsets = [0, 0], sizes = [256, 256], strides = [1, 1]} : vector<256x512xi16> to vector<256x256xi16>
    %slice3A_718 = vector.extract_strided_slice %add3A_716 {offsets = [0, 256], sizes = [256, 256], strides = [1, 1]} : vector<256x512xi16> to vector<256x256xi16>
    %add3A_719 = arith.addi %slice3A_717, %slice3A_718 : vector<256x256xi16>
    %slice3A_720 = vector.extract_strided_slice %add3A_719 {offsets = [0, 0], sizes = [256, 128], strides = [1, 1]} : vector<256x256xi16> to vector<256x128xi16>
    %slice3A_721 = vector.extract_strided_slice %add3A_719 {offsets = [0, 128], sizes = [256, 128], strides = [1, 1]} : vector<256x256xi16> to vector<256x128xi16>
    %add3A_722 = arith.addi %slice3A_720, %slice3A_721 : vector<256x128xi16>
    %convert_element_type3A_723 = arith.sitofp %add3A_722 : vector<256x128xi16> to vector<256x128xf32>
    %reduce_sum3A_724 = arith.constant dense<0.000000e+00> : vector<256xf32>
    %reduce_sum3A_725 = vector.multi_reduction <add>, %convert_element_type3A_723, %reduce_sum3A_724 [1] : vector<256x128xf32> to vector<256xf32>
    %broadcast_in_dim3A_726 = vector.shape_cast %reduce_sum3A_725 : vector<256xf32> to vector<256x1xf32>
    %lt3A_727 = arith.cmpf olt, %broadcast_in_dim3A_726, %sub3A_528 : vector<256x1xf32>
    %select_n3A_728 = arith.select %lt3A_727, %add3A_699, %select_n3A_696 : vector<256x1xi1>, vector<256x1xi32>
    %add3A_729 = arith.constant 256 : i32
    %add3A_730 = vector.broadcast %add3A_729 : i32 to vector<256x1xi32>
    %add3A_731 = arith.addi %select_n3A_728, %add3A_730 : vector<256x1xi32>
    %convert_element_type3A_732 = arith.trunci %add3A_731 : vector<256x1xi32> to vector<256x1xi16>
    %lt3A_733 = vector.broadcast %convert_element_type3A_732 : vector<256x1xi16> to vector<256x4096xi16>
    %lt3A_734 = arith.cmpi slt, %select_n3A_534, %lt3A_733 : vector<256x4096xi16>
    %jit3A_735 = arith.constant 1 : i16
    %jit3A_736 = arith.constant 0 : i16
    %broadcast_in_dim3A_737 = vector.broadcast %jit3A_735 : i16 to vector<256x4096xi16>
    %broadcast_in_dim3A_738 = vector.broadcast %jit3A_736 : i16 to vector<256x4096xi16>
    %select_n3A_739 = arith.select %lt3A_734, %broadcast_in_dim3A_737, %broadcast_in_dim3A_738 : vector<256x4096xi1>, vector<256x4096xi16>
    %slice3A_740 = vector.extract_strided_slice %select_n3A_739 {offsets = [0, 0], sizes = [256, 2048], strides = [1, 1]} : vector<256x4096xi16> to vector<256x2048xi16>
    %slice3A_741 = vector.extract_strided_slice %select_n3A_739 {offsets = [0, 2048], sizes = [256, 2048], strides = [1, 1]} : vector<256x4096xi16> to vector<256x2048xi16>
    %add3A_742 = arith.addi %slice3A_740, %slice3A_741 : vector<256x2048xi16>
    %slice3A_743 = vector.extract_strided_slice %add3A_742 {offsets = [0, 0], sizes = [256, 1024], strides = [1, 1]} : vector<256x2048xi16> to vector<256x1024xi16>
    %slice3A_744 = vector.extract_strided_slice %add3A_742 {offsets = [0, 1024], sizes = [256, 1024], strides = [1, 1]} : vector<256x2048xi16> to vector<256x1024xi16>
    %add3A_745 = arith.addi %slice3A_743, %slice3A_744 : vector<256x1024xi16>
    %slice3A_746 = vector.extract_strided_slice %add3A_745 {offsets = [0, 0], sizes = [256, 512], strides = [1, 1]} : vector<256x1024xi16> to vector<256x512xi16>
    %slice3A_747 = vector.extract_strided_slice %add3A_745 {offsets = [0, 512], sizes = [256, 512], strides = [1, 1]} : vector<256x1024xi16> to vector<256x512xi16>
    %add3A_748 = arith.addi %slice3A_746, %slice3A_747 : vector<256x512xi16>
    %slice3A_749 = vector.extract_strided_slice %add3A_748 {offsets = [0, 0], sizes = [256, 256], strides = [1, 1]} : vector<256x512xi16> to vector<256x256xi16>
    %slice3A_750 = vector.extract_strided_slice %add3A_748 {offsets = [0, 256], sizes = [256, 256], strides = [1, 1]} : vector<256x512xi16> to vector<256x256xi16>
    %add3A_751 = arith.addi %slice3A_749, %slice3A_750 : vector<256x256xi16>
    %slice3A_752 = vector.extract_strided_slice %add3A_751 {offsets = [0, 0], sizes = [256, 128], strides = [1, 1]} : vector<256x256xi16> to vector<256x128xi16>
    %slice3A_753 = vector.extract_strided_slice %add3A_751 {offsets = [0, 128], sizes = [256, 128], strides = [1, 1]} : vector<256x256xi16> to vector<256x128xi16>
    %add3A_754 = arith.addi %slice3A_752, %slice3A_753 : vector<256x128xi16>
    %convert_element_type3A_755 = arith.sitofp %add3A_754 : vector<256x128xi16> to vector<256x128xf32>
    %reduce_sum3A_756 = arith.constant dense<0.000000e+00> : vector<256xf32>
    %reduce_sum3A_757 = vector.multi_reduction <add>, %convert_element_type3A_755, %reduce_sum3A_756 [1] : vector<256x128xf32> to vector<256xf32>
    %broadcast_in_dim3A_758 = vector.shape_cast %reduce_sum3A_757 : vector<256xf32> to vector<256x1xf32>
    %lt3A_759 = arith.cmpf olt, %broadcast_in_dim3A_758, %sub3A_528 : vector<256x1xf32>
    %select_n3A_760 = arith.select %lt3A_759, %add3A_731, %select_n3A_728 : vector<256x1xi1>, vector<256x1xi32>
    %add3A_761 = arith.constant 128 : i32
    %add3A_762 = vector.broadcast %add3A_761 : i32 to vector<256x1xi32>
    %add3A_763 = arith.addi %select_n3A_760, %add3A_762 : vector<256x1xi32>
    %convert_element_type3A_764 = arith.trunci %add3A_763 : vector<256x1xi32> to vector<256x1xi16>
    %lt3A_765 = vector.broadcast %convert_element_type3A_764 : vector<256x1xi16> to vector<256x4096xi16>
    %lt3A_766 = arith.cmpi slt, %select_n3A_534, %lt3A_765 : vector<256x4096xi16>
    %jit3A_767 = arith.constant 1 : i16
    %jit3A_768 = arith.constant 0 : i16
    %broadcast_in_dim3A_769 = vector.broadcast %jit3A_767 : i16 to vector<256x4096xi16>
    %broadcast_in_dim3A_770 = vector.broadcast %jit3A_768 : i16 to vector<256x4096xi16>
    %select_n3A_771 = arith.select %lt3A_766, %broadcast_in_dim3A_769, %broadcast_in_dim3A_770 : vector<256x4096xi1>, vector<256x4096xi16>
    %slice3A_772 = vector.extract_strided_slice %select_n3A_771 {offsets = [0, 0], sizes = [256, 2048], strides = [1, 1]} : vector<256x4096xi16> to vector<256x2048xi16>
    %slice3A_773 = vector.extract_strided_slice %select_n3A_771 {offsets = [0, 2048], sizes = [256, 2048], strides = [1, 1]} : vector<256x4096xi16> to vector<256x2048xi16>
    %add3A_774 = arith.addi %slice3A_772, %slice3A_773 : vector<256x2048xi16>
    %slice3A_775 = vector.extract_strided_slice %add3A_774 {offsets = [0, 0], sizes = [256, 1024], strides = [1, 1]} : vector<256x2048xi16> to vector<256x1024xi16>
    %slice3A_776 = vector.extract_strided_slice %add3A_774 {offsets = [0, 1024], sizes = [256, 1024], strides = [1, 1]} : vector<256x2048xi16> to vector<256x1024xi16>
    %add3A_777 = arith.addi %slice3A_775, %slice3A_776 : vector<256x1024xi16>
    %slice3A_778 = vector.extract_strided_slice %add3A_777 {offsets = [0, 0], sizes = [256, 512], strides = [1, 1]} : vector<256x1024xi16> to vector<256x512xi16>
    %slice3A_779 = vector.extract_strided_slice %add3A_777 {offsets = [0, 512], sizes = [256, 512], strides = [1, 1]} : vector<256x1024xi16> to vector<256x512xi16>
    %add3A_780 = arith.addi %slice3A_778, %slice3A_779 : vector<256x512xi16>
    %slice3A_781 = vector.extract_strided_slice %add3A_780 {offsets = [0, 0], sizes = [256, 256], strides = [1, 1]} : vector<256x512xi16> to vector<256x256xi16>
    %slice3A_782 = vector.extract_strided_slice %add3A_780 {offsets = [0, 256], sizes = [256, 256], strides = [1, 1]} : vector<256x512xi16> to vector<256x256xi16>
    %add3A_783 = arith.addi %slice3A_781, %slice3A_782 : vector<256x256xi16>
    %slice3A_784 = vector.extract_strided_slice %add3A_783 {offsets = [0, 0], sizes = [256, 128], strides = [1, 1]} : vector<256x256xi16> to vector<256x128xi16>
    %slice3A_785 = vector.extract_strided_slice %add3A_783 {offsets = [0, 128], sizes = [256, 128], strides = [1, 1]} : vector<256x256xi16> to vector<256x128xi16>
    %add3A_786 = arith.addi %slice3A_784, %slice3A_785 : vector<256x128xi16>
    %convert_element_type3A_787 = arith.sitofp %add3A_786 : vector<256x128xi16> to vector<256x128xf32>
    %reduce_sum3A_788 = arith.constant dense<0.000000e+00> : vector<256xf32>
    %reduce_sum3A_789 = vector.multi_reduction <add>, %convert_element_type3A_787, %reduce_sum3A_788 [1] : vector<256x128xf32> to vector<256xf32>
    %broadcast_in_dim3A_790 = vector.shape_cast %reduce_sum3A_789 : vector<256xf32> to vector<256x1xf32>
    %lt3A_791 = arith.cmpf olt, %broadcast_in_dim3A_790, %sub3A_528 : vector<256x1xf32>
    %select_n3A_792 = arith.select %lt3A_791, %add3A_763, %select_n3A_760 : vector<256x1xi1>, vector<256x1xi32>
    %add3A_793 = arith.constant 64 : i32
    %add3A_794 = vector.broadcast %add3A_793 : i32 to vector<256x1xi32>
    %add3A_795 = arith.addi %select_n3A_792, %add3A_794 : vector<256x1xi32>
    %convert_element_type3A_796 = arith.trunci %add3A_795 : vector<256x1xi32> to vector<256x1xi16>
    %lt3A_797 = vector.broadcast %convert_element_type3A_796 : vector<256x1xi16> to vector<256x4096xi16>
    %lt3A_798 = arith.cmpi slt, %select_n3A_534, %lt3A_797 : vector<256x4096xi16>
    %jit3A_799 = arith.constant 1 : i16
    %jit3A_800 = arith.constant 0 : i16
    %broadcast_in_dim3A_801 = vector.broadcast %jit3A_799 : i16 to vector<256x4096xi16>
    %broadcast_in_dim3A_802 = vector.broadcast %jit3A_800 : i16 to vector<256x4096xi16>
    %select_n3A_803 = arith.select %lt3A_798, %broadcast_in_dim3A_801, %broadcast_in_dim3A_802 : vector<256x4096xi1>, vector<256x4096xi16>
    %slice3A_804 = vector.extract_strided_slice %select_n3A_803 {offsets = [0, 0], sizes = [256, 2048], strides = [1, 1]} : vector<256x4096xi16> to vector<256x2048xi16>
    %slice3A_805 = vector.extract_strided_slice %select_n3A_803 {offsets = [0, 2048], sizes = [256, 2048], strides = [1, 1]} : vector<256x4096xi16> to vector<256x2048xi16>
    %add3A_806 = arith.addi %slice3A_804, %slice3A_805 : vector<256x2048xi16>
    %slice3A_807 = vector.extract_strided_slice %add3A_806 {offsets = [0, 0], sizes = [256, 1024], strides = [1, 1]} : vector<256x2048xi16> to vector<256x1024xi16>
    %slice3A_808 = vector.extract_strided_slice %add3A_806 {offsets = [0, 1024], sizes = [256, 1024], strides = [1, 1]} : vector<256x2048xi16> to vector<256x1024xi16>
    %add3A_809 = arith.addi %slice3A_807, %slice3A_808 : vector<256x1024xi16>
    %slice3A_810 = vector.extract_strided_slice %add3A_809 {offsets = [0, 0], sizes = [256, 512], strides = [1, 1]} : vector<256x1024xi16> to vector<256x512xi16>
    %slice3A_811 = vector.extract_strided_slice %add3A_809 {offsets = [0, 512], sizes = [256, 512], strides = [1, 1]} : vector<256x1024xi16> to vector<256x512xi16>
    %add3A_812 = arith.addi %slice3A_810, %slice3A_811 : vector<256x512xi16>
    %slice3A_813 = vector.extract_strided_slice %add3A_812 {offsets = [0, 0], sizes = [256, 256], strides = [1, 1]} : vector<256x512xi16> to vector<256x256xi16>
    %slice3A_814 = vector.extract_strided_slice %add3A_812 {offsets = [0, 256], sizes = [256, 256], strides = [1, 1]} : vector<256x512xi16> to vector<256x256xi16>
    %add3A_815 = arith.addi %slice3A_813, %slice3A_814 : vector<256x256xi16>
    %slice3A_816 = vector.extract_strided_slice %add3A_815 {offsets = [0, 0], sizes = [256, 128], strides = [1, 1]} : vector<256x256xi16> to vector<256x128xi16>
    %slice3A_817 = vector.extract_strided_slice %add3A_815 {offsets = [0, 128], sizes = [256, 128], strides = [1, 1]} : vector<256x256xi16> to vector<256x128xi16>
    %add3A_818 = arith.addi %slice3A_816, %slice3A_817 : vector<256x128xi16>
    %convert_element_type3A_819 = arith.sitofp %add3A_818 : vector<256x128xi16> to vector<256x128xf32>
    %reduce_sum3A_820 = arith.constant dense<0.000000e+00> : vector<256xf32>
    %reduce_sum3A_821 = vector.multi_reduction <add>, %convert_element_type3A_819, %reduce_sum3A_820 [1] : vector<256x128xf32> to vector<256xf32>
    %broadcast_in_dim3A_822 = vector.shape_cast %reduce_sum3A_821 : vector<256xf32> to vector<256x1xf32>
    %lt3A_823 = arith.cmpf olt, %broadcast_in_dim3A_822, %sub3A_528 : vector<256x1xf32>
    %select_n3A_824 = arith.select %lt3A_823, %add3A_795, %select_n3A_792 : vector<256x1xi1>, vector<256x1xi32>
    %add3A_825 = arith.constant 32 : i32
    %add3A_826 = vector.broadcast %add3A_825 : i32 to vector<256x1xi32>
    %add3A_827 = arith.addi %select_n3A_824, %add3A_826 : vector<256x1xi32>
    %convert_element_type3A_828 = arith.trunci %add3A_827 : vector<256x1xi32> to vector<256x1xi16>
    %lt3A_829 = vector.broadcast %convert_element_type3A_828 : vector<256x1xi16> to vector<256x4096xi16>
    %lt3A_830 = arith.cmpi slt, %select_n3A_534, %lt3A_829 : vector<256x4096xi16>
    %jit3A_831 = arith.constant 1 : i16
    %jit3A_832 = arith.constant 0 : i16
    %broadcast_in_dim3A_833 = vector.broadcast %jit3A_831 : i16 to vector<256x4096xi16>
    %broadcast_in_dim3A_834 = vector.broadcast %jit3A_832 : i16 to vector<256x4096xi16>
    %select_n3A_835 = arith.select %lt3A_830, %broadcast_in_dim3A_833, %broadcast_in_dim3A_834 : vector<256x4096xi1>, vector<256x4096xi16>
    %slice3A_836 = vector.extract_strided_slice %select_n3A_835 {offsets = [0, 0], sizes = [256, 2048], strides = [1, 1]} : vector<256x4096xi16> to vector<256x2048xi16>
    %slice3A_837 = vector.extract_strided_slice %select_n3A_835 {offsets = [0, 2048], sizes = [256, 2048], strides = [1, 1]} : vector<256x4096xi16> to vector<256x2048xi16>
    %add3A_838 = arith.addi %slice3A_836, %slice3A_837 : vector<256x2048xi16>
    %slice3A_839 = vector.extract_strided_slice %add3A_838 {offsets = [0, 0], sizes = [256, 1024], strides = [1, 1]} : vector<256x2048xi16> to vector<256x1024xi16>
    %slice3A_840 = vector.extract_strided_slice %add3A_838 {offsets = [0, 1024], sizes = [256, 1024], strides = [1, 1]} : vector<256x2048xi16> to vector<256x1024xi16>
    %add3A_841 = arith.addi %slice3A_839, %slice3A_840 : vector<256x1024xi16>
    %slice3A_842 = vector.extract_strided_slice %add3A_841 {offsets = [0, 0], sizes = [256, 512], strides = [1, 1]} : vector<256x1024xi16> to vector<256x512xi16>
    %slice3A_843 = vector.extract_strided_slice %add3A_841 {offsets = [0, 512], sizes = [256, 512], strides = [1, 1]} : vector<256x1024xi16> to vector<256x512xi16>
    %add3A_844 = arith.addi %slice3A_842, %slice3A_843 : vector<256x512xi16>
    %slice3A_845 = vector.extract_strided_slice %add3A_844 {offsets = [0, 0], sizes = [256, 256], strides = [1, 1]} : vector<256x512xi16> to vector<256x256xi16>
    %slice3A_846 = vector.extract_strided_slice %add3A_844 {offsets = [0, 256], sizes = [256, 256], strides = [1, 1]} : vector<256x512xi16> to vector<256x256xi16>
    %add3A_847 = arith.addi %slice3A_845, %slice3A_846 : vector<256x256xi16>
    %slice3A_848 = vector.extract_strided_slice %add3A_847 {offsets = [0, 0], sizes = [256, 128], strides = [1, 1]} : vector<256x256xi16> to vector<256x128xi16>
    %slice3A_849 = vector.extract_strided_slice %add3A_847 {offsets = [0, 128], sizes = [256, 128], strides = [1, 1]} : vector<256x256xi16> to vector<256x128xi16>
    %add3A_850 = arith.addi %slice3A_848, %slice3A_849 : vector<256x128xi16>
    %convert_element_type3A_851 = arith.sitofp %add3A_850 : vector<256x128xi16> to vector<256x128xf32>
    %reduce_sum3A_852 = arith.constant dense<0.000000e+00> : vector<256xf32>
    %reduce_sum3A_853 = vector.multi_reduction <add>, %convert_element_type3A_851, %reduce_sum3A_852 [1] : vector<256x128xf32> to vector<256xf32>
    %broadcast_in_dim3A_854 = vector.shape_cast %reduce_sum3A_853 : vector<256xf32> to vector<256x1xf32>
    %lt3A_855 = arith.cmpf olt, %broadcast_in_dim3A_854, %sub3A_528 : vector<256x1xf32>
    %select_n3A_856 = arith.select %lt3A_855, %add3A_827, %select_n3A_824 : vector<256x1xi1>, vector<256x1xi32>
    %add3A_857 = arith.constant 16 : i32
    %add3A_858 = vector.broadcast %add3A_857 : i32 to vector<256x1xi32>
    %add3A_859 = arith.addi %select_n3A_856, %add3A_858 : vector<256x1xi32>
    %convert_element_type3A_860 = arith.trunci %add3A_859 : vector<256x1xi32> to vector<256x1xi16>
    %lt3A_861 = vector.broadcast %convert_element_type3A_860 : vector<256x1xi16> to vector<256x4096xi16>
    %lt3A_862 = arith.cmpi slt, %select_n3A_534, %lt3A_861 : vector<256x4096xi16>
    %jit3A_863 = arith.constant 1 : i16
    %jit3A_864 = arith.constant 0 : i16
    %broadcast_in_dim3A_865 = vector.broadcast %jit3A_863 : i16 to vector<256x4096xi16>
    %broadcast_in_dim3A_866 = vector.broadcast %jit3A_864 : i16 to vector<256x4096xi16>
    %select_n3A_867 = arith.select %lt3A_862, %broadcast_in_dim3A_865, %broadcast_in_dim3A_866 : vector<256x4096xi1>, vector<256x4096xi16>
    %slice3A_868 = vector.extract_strided_slice %select_n3A_867 {offsets = [0, 0], sizes = [256, 2048], strides = [1, 1]} : vector<256x4096xi16> to vector<256x2048xi16>
    %slice3A_869 = vector.extract_strided_slice %select_n3A_867 {offsets = [0, 2048], sizes = [256, 2048], strides = [1, 1]} : vector<256x4096xi16> to vector<256x2048xi16>
    %add3A_870 = arith.addi %slice3A_868, %slice3A_869 : vector<256x2048xi16>
    %slice3A_871 = vector.extract_strided_slice %add3A_870 {offsets = [0, 0], sizes = [256, 1024], strides = [1, 1]} : vector<256x2048xi16> to vector<256x1024xi16>
    %slice3A_872 = vector.extract_strided_slice %add3A_870 {offsets = [0, 1024], sizes = [256, 1024], strides = [1, 1]} : vector<256x2048xi16> to vector<256x1024xi16>
    %add3A_873 = arith.addi %slice3A_871, %slice3A_872 : vector<256x1024xi16>
    %slice3A_874 = vector.extract_strided_slice %add3A_873 {offsets = [0, 0], sizes = [256, 512], strides = [1, 1]} : vector<256x1024xi16> to vector<256x512xi16>
    %slice3A_875 = vector.extract_strided_slice %add3A_873 {offsets = [0, 512], sizes = [256, 512], strides = [1, 1]} : vector<256x1024xi16> to vector<256x512xi16>
    %add3A_876 = arith.addi %slice3A_874, %slice3A_875 : vector<256x512xi16>
    %slice3A_877 = vector.extract_strided_slice %add3A_876 {offsets = [0, 0], sizes = [256, 256], strides = [1, 1]} : vector<256x512xi16> to vector<256x256xi16>
    %slice3A_878 = vector.extract_strided_slice %add3A_876 {offsets = [0, 256], sizes = [256, 256], strides = [1, 1]} : vector<256x512xi16> to vector<256x256xi16>
    %add3A_879 = arith.addi %slice3A_877, %slice3A_878 : vector<256x256xi16>
    %slice3A_880 = vector.extract_strided_slice %add3A_879 {offsets = [0, 0], sizes = [256, 128], strides = [1, 1]} : vector<256x256xi16> to vector<256x128xi16>
    %slice3A_881 = vector.extract_strided_slice %add3A_879 {offsets = [0, 128], sizes = [256, 128], strides = [1, 1]} : vector<256x256xi16> to vector<256x128xi16>
    %add3A_882 = arith.addi %slice3A_880, %slice3A_881 : vector<256x128xi16>
    %convert_element_type3A_883 = arith.sitofp %add3A_882 : vector<256x128xi16> to vector<256x128xf32>
    %reduce_sum3A_884 = arith.constant dense<0.000000e+00> : vector<256xf32>
    %reduce_sum3A_885 = vector.multi_reduction <add>, %convert_element_type3A_883, %reduce_sum3A_884 [1] : vector<256x128xf32> to vector<256xf32>
    %broadcast_in_dim3A_886 = vector.shape_cast %reduce_sum3A_885 : vector<256xf32> to vector<256x1xf32>
    %lt3A_887 = arith.cmpf olt, %broadcast_in_dim3A_886, %sub3A_528 : vector<256x1xf32>
    %select_n3A_888 = arith.select %lt3A_887, %add3A_859, %select_n3A_856 : vector<256x1xi1>, vector<256x1xi32>
    %add3A_889 = arith.constant 8 : i32
    %add3A_890 = vector.broadcast %add3A_889 : i32 to vector<256x1xi32>
    %add3A_891 = arith.addi %select_n3A_888, %add3A_890 : vector<256x1xi32>
    %convert_element_type3A_892 = arith.trunci %add3A_891 : vector<256x1xi32> to vector<256x1xi16>
    %lt3A_893 = vector.broadcast %convert_element_type3A_892 : vector<256x1xi16> to vector<256x4096xi16>
    %lt3A_894 = arith.cmpi slt, %select_n3A_534, %lt3A_893 : vector<256x4096xi16>
    %jit3A_895 = arith.constant 1 : i16
    %jit3A_896 = arith.constant 0 : i16
    %broadcast_in_dim3A_897 = vector.broadcast %jit3A_895 : i16 to vector<256x4096xi16>
    %broadcast_in_dim3A_898 = vector.broadcast %jit3A_896 : i16 to vector<256x4096xi16>
    %select_n3A_899 = arith.select %lt3A_894, %broadcast_in_dim3A_897, %broadcast_in_dim3A_898 : vector<256x4096xi1>, vector<256x4096xi16>
    %slice3A_900 = vector.extract_strided_slice %select_n3A_899 {offsets = [0, 0], sizes = [256, 2048], strides = [1, 1]} : vector<256x4096xi16> to vector<256x2048xi16>
    %slice3A_901 = vector.extract_strided_slice %select_n3A_899 {offsets = [0, 2048], sizes = [256, 2048], strides = [1, 1]} : vector<256x4096xi16> to vector<256x2048xi16>
    %add3A_902 = arith.addi %slice3A_900, %slice3A_901 : vector<256x2048xi16>
    %slice3A_903 = vector.extract_strided_slice %add3A_902 {offsets = [0, 0], sizes = [256, 1024], strides = [1, 1]} : vector<256x2048xi16> to vector<256x1024xi16>
    %slice3A_904 = vector.extract_strided_slice %add3A_902 {offsets = [0, 1024], sizes = [256, 1024], strides = [1, 1]} : vector<256x2048xi16> to vector<256x1024xi16>
    %add3A_905 = arith.addi %slice3A_903, %slice3A_904 : vector<256x1024xi16>
    %slice3A_906 = vector.extract_strided_slice %add3A_905 {offsets = [0, 0], sizes = [256, 512], strides = [1, 1]} : vector<256x1024xi16> to vector<256x512xi16>
    %slice3A_907 = vector.extract_strided_slice %add3A_905 {offsets = [0, 512], sizes = [256, 512], strides = [1, 1]} : vector<256x1024xi16> to vector<256x512xi16>
    %add3A_908 = arith.addi %slice3A_906, %slice3A_907 : vector<256x512xi16>
    %slice3A_909 = vector.extract_strided_slice %add3A_908 {offsets = [0, 0], sizes = [256, 256], strides = [1, 1]} : vector<256x512xi16> to vector<256x256xi16>
    %slice3A_910 = vector.extract_strided_slice %add3A_908 {offsets = [0, 256], sizes = [256, 256], strides = [1, 1]} : vector<256x512xi16> to vector<256x256xi16>
    %add3A_911 = arith.addi %slice3A_909, %slice3A_910 : vector<256x256xi16>
    %slice3A_912 = vector.extract_strided_slice %add3A_911 {offsets = [0, 0], sizes = [256, 128], strides = [1, 1]} : vector<256x256xi16> to vector<256x128xi16>
    %slice3A_913 = vector.extract_strided_slice %add3A_911 {offsets = [0, 128], sizes = [256, 128], strides = [1, 1]} : vector<256x256xi16> to vector<256x128xi16>
    %add3A_914 = arith.addi %slice3A_912, %slice3A_913 : vector<256x128xi16>
    %convert_element_type3A_915 = arith.sitofp %add3A_914 : vector<256x128xi16> to vector<256x128xf32>
    %reduce_sum3A_916 = arith.constant dense<0.000000e+00> : vector<256xf32>
    %reduce_sum3A_917 = vector.multi_reduction <add>, %convert_element_type3A_915, %reduce_sum3A_916 [1] : vector<256x128xf32> to vector<256xf32>
    %broadcast_in_dim3A_918 = vector.shape_cast %reduce_sum3A_917 : vector<256xf32> to vector<256x1xf32>
    %lt3A_919 = arith.cmpf olt, %broadcast_in_dim3A_918, %sub3A_528 : vector<256x1xf32>
    %select_n3A_920 = arith.select %lt3A_919, %add3A_891, %select_n3A_888 : vector<256x1xi1>, vector<256x1xi32>
    %add3A_921 = arith.constant 4 : i32
    %add3A_922 = vector.broadcast %add3A_921 : i32 to vector<256x1xi32>
    %add3A_923 = arith.addi %select_n3A_920, %add3A_922 : vector<256x1xi32>
    %convert_element_type3A_924 = arith.trunci %add3A_923 : vector<256x1xi32> to vector<256x1xi16>
    %lt3A_925 = vector.broadcast %convert_element_type3A_924 : vector<256x1xi16> to vector<256x4096xi16>
    %lt3A_926 = arith.cmpi slt, %select_n3A_534, %lt3A_925 : vector<256x4096xi16>
    %jit3A_927 = arith.constant 1 : i16
    %jit3A_928 = arith.constant 0 : i16
    %broadcast_in_dim3A_929 = vector.broadcast %jit3A_927 : i16 to vector<256x4096xi16>
    %broadcast_in_dim3A_930 = vector.broadcast %jit3A_928 : i16 to vector<256x4096xi16>
    %select_n3A_931 = arith.select %lt3A_926, %broadcast_in_dim3A_929, %broadcast_in_dim3A_930 : vector<256x4096xi1>, vector<256x4096xi16>
    %slice3A_932 = vector.extract_strided_slice %select_n3A_931 {offsets = [0, 0], sizes = [256, 2048], strides = [1, 1]} : vector<256x4096xi16> to vector<256x2048xi16>
    %slice3A_933 = vector.extract_strided_slice %select_n3A_931 {offsets = [0, 2048], sizes = [256, 2048], strides = [1, 1]} : vector<256x4096xi16> to vector<256x2048xi16>
    %add3A_934 = arith.addi %slice3A_932, %slice3A_933 : vector<256x2048xi16>
    %slice3A_935 = vector.extract_strided_slice %add3A_934 {offsets = [0, 0], sizes = [256, 1024], strides = [1, 1]} : vector<256x2048xi16> to vector<256x1024xi16>
    %slice3A_936 = vector.extract_strided_slice %add3A_934 {offsets = [0, 1024], sizes = [256, 1024], strides = [1, 1]} : vector<256x2048xi16> to vector<256x1024xi16>
    %add3A_937 = arith.addi %slice3A_935, %slice3A_936 : vector<256x1024xi16>
    %slice3A_938 = vector.extract_strided_slice %add3A_937 {offsets = [0, 0], sizes = [256, 512], strides = [1, 1]} : vector<256x1024xi16> to vector<256x512xi16>
    %slice3A_939 = vector.extract_strided_slice %add3A_937 {offsets = [0, 512], sizes = [256, 512], strides = [1, 1]} : vector<256x1024xi16> to vector<256x512xi16>
    %add3A_940 = arith.addi %slice3A_938, %slice3A_939 : vector<256x512xi16>
    %slice3A_941 = vector.extract_strided_slice %add3A_940 {offsets = [0, 0], sizes = [256, 256], strides = [1, 1]} : vector<256x512xi16> to vector<256x256xi16>
    %slice3A_942 = vector.extract_strided_slice %add3A_940 {offsets = [0, 256], sizes = [256, 256], strides = [1, 1]} : vector<256x512xi16> to vector<256x256xi16>
    %add3A_943 = arith.addi %slice3A_941, %slice3A_942 : vector<256x256xi16>
    %slice3A_944 = vector.extract_strided_slice %add3A_943 {offsets = [0, 0], sizes = [256, 128], strides = [1, 1]} : vector<256x256xi16> to vector<256x128xi16>
    %slice3A_945 = vector.extract_strided_slice %add3A_943 {offsets = [0, 128], sizes = [256, 128], strides = [1, 1]} : vector<256x256xi16> to vector<256x128xi16>
    %add3A_946 = arith.addi %slice3A_944, %slice3A_945 : vector<256x128xi16>
    %convert_element_type3A_947 = arith.sitofp %add3A_946 : vector<256x128xi16> to vector<256x128xf32>
    %reduce_sum3A_948 = arith.constant dense<0.000000e+00> : vector<256xf32>
    %reduce_sum3A_949 = vector.multi_reduction <add>, %convert_element_type3A_947, %reduce_sum3A_948 [1] : vector<256x128xf32> to vector<256xf32>
    %broadcast_in_dim3A_950 = vector.shape_cast %reduce_sum3A_949 : vector<256xf32> to vector<256x1xf32>
    %lt3A_951 = arith.cmpf olt, %broadcast_in_dim3A_950, %sub3A_528 : vector<256x1xf32>
    %select_n3A_952 = arith.select %lt3A_951, %add3A_923, %select_n3A_920 : vector<256x1xi1>, vector<256x1xi32>
    %add3A_953 = arith.constant 2 : i32
    %add3A_954 = vector.broadcast %add3A_953 : i32 to vector<256x1xi32>
    %add3A_955 = arith.addi %select_n3A_952, %add3A_954 : vector<256x1xi32>
    %convert_element_type3A_956 = arith.trunci %add3A_955 : vector<256x1xi32> to vector<256x1xi16>
    %lt3A_957 = vector.broadcast %convert_element_type3A_956 : vector<256x1xi16> to vector<256x4096xi16>
    %lt3A_958 = arith.cmpi slt, %select_n3A_534, %lt3A_957 : vector<256x4096xi16>
    %jit3A_959 = arith.constant 1 : i16
    %jit3A_960 = arith.constant 0 : i16
    %broadcast_in_dim3A_961 = vector.broadcast %jit3A_959 : i16 to vector<256x4096xi16>
    %broadcast_in_dim3A_962 = vector.broadcast %jit3A_960 : i16 to vector<256x4096xi16>
    %select_n3A_963 = arith.select %lt3A_958, %broadcast_in_dim3A_961, %broadcast_in_dim3A_962 : vector<256x4096xi1>, vector<256x4096xi16>
    %slice3A_964 = vector.extract_strided_slice %select_n3A_963 {offsets = [0, 0], sizes = [256, 2048], strides = [1, 1]} : vector<256x4096xi16> to vector<256x2048xi16>
    %slice3A_965 = vector.extract_strided_slice %select_n3A_963 {offsets = [0, 2048], sizes = [256, 2048], strides = [1, 1]} : vector<256x4096xi16> to vector<256x2048xi16>
    %add3A_966 = arith.addi %slice3A_964, %slice3A_965 : vector<256x2048xi16>
    %slice3A_967 = vector.extract_strided_slice %add3A_966 {offsets = [0, 0], sizes = [256, 1024], strides = [1, 1]} : vector<256x2048xi16> to vector<256x1024xi16>
    %slice3A_968 = vector.extract_strided_slice %add3A_966 {offsets = [0, 1024], sizes = [256, 1024], strides = [1, 1]} : vector<256x2048xi16> to vector<256x1024xi16>
    %add3A_969 = arith.addi %slice3A_967, %slice3A_968 : vector<256x1024xi16>
    %slice3A_970 = vector.extract_strided_slice %add3A_969 {offsets = [0, 0], sizes = [256, 512], strides = [1, 1]} : vector<256x1024xi16> to vector<256x512xi16>
    %slice3A_971 = vector.extract_strided_slice %add3A_969 {offsets = [0, 512], sizes = [256, 512], strides = [1, 1]} : vector<256x1024xi16> to vector<256x512xi16>
    %add3A_972 = arith.addi %slice3A_970, %slice3A_971 : vector<256x512xi16>
    %slice3A_973 = vector.extract_strided_slice %add3A_972 {offsets = [0, 0], sizes = [256, 256], strides = [1, 1]} : vector<256x512xi16> to vector<256x256xi16>
    %slice3A_974 = vector.extract_strided_slice %add3A_972 {offsets = [0, 256], sizes = [256, 256], strides = [1, 1]} : vector<256x512xi16> to vector<256x256xi16>
    %add3A_975 = arith.addi %slice3A_973, %slice3A_974 : vector<256x256xi16>
    %slice3A_976 = vector.extract_strided_slice %add3A_975 {offsets = [0, 0], sizes = [256, 128], strides = [1, 1]} : vector<256x256xi16> to vector<256x128xi16>
    %slice3A_977 = vector.extract_strided_slice %add3A_975 {offsets = [0, 128], sizes = [256, 128], strides = [1, 1]} : vector<256x256xi16> to vector<256x128xi16>
    %add3A_978 = arith.addi %slice3A_976, %slice3A_977 : vector<256x128xi16>
    %convert_element_type3A_979 = arith.sitofp %add3A_978 : vector<256x128xi16> to vector<256x128xf32>
    %reduce_sum3A_980 = arith.constant dense<0.000000e+00> : vector<256xf32>
    %reduce_sum3A_981 = vector.multi_reduction <add>, %convert_element_type3A_979, %reduce_sum3A_980 [1] : vector<256x128xf32> to vector<256xf32>
    %broadcast_in_dim3A_982 = vector.shape_cast %reduce_sum3A_981 : vector<256xf32> to vector<256x1xf32>
    %lt3A_983 = arith.cmpf olt, %broadcast_in_dim3A_982, %sub3A_528 : vector<256x1xf32>
    %select_n3A_984 = arith.select %lt3A_983, %add3A_955, %select_n3A_952 : vector<256x1xi1>, vector<256x1xi32>
    %add3A_985 = arith.constant 1 : i32
    %add3A_986 = vector.broadcast %add3A_985 : i32 to vector<256x1xi32>
    %add3A_987 = arith.addi %select_n3A_984, %add3A_986 : vector<256x1xi32>
    %convert_element_type3A_988 = arith.trunci %add3A_987 : vector<256x1xi32> to vector<256x1xi16>
    %lt3A_989 = vector.broadcast %convert_element_type3A_988 : vector<256x1xi16> to vector<256x4096xi16>
    %lt3A_990 = arith.cmpi slt, %select_n3A_534, %lt3A_989 : vector<256x4096xi16>
    %jit3A_991 = arith.constant 1 : i16
    %jit3A_992 = arith.constant 0 : i16
    %broadcast_in_dim3A_993 = vector.broadcast %jit3A_991 : i16 to vector<256x4096xi16>
    %broadcast_in_dim3A_994 = vector.broadcast %jit3A_992 : i16 to vector<256x4096xi16>
    %select_n3A_995 = arith.select %lt3A_990, %broadcast_in_dim3A_993, %broadcast_in_dim3A_994 : vector<256x4096xi1>, vector<256x4096xi16>
    %slice3A_996 = vector.extract_strided_slice %select_n3A_995 {offsets = [0, 0], sizes = [256, 2048], strides = [1, 1]} : vector<256x4096xi16> to vector<256x2048xi16>
    %slice3A_997 = vector.extract_strided_slice %select_n3A_995 {offsets = [0, 2048], sizes = [256, 2048], strides = [1, 1]} : vector<256x4096xi16> to vector<256x2048xi16>
    %add3A_998 = arith.addi %slice3A_996, %slice3A_997 : vector<256x2048xi16>
    %slice3A_999 = vector.extract_strided_slice %add3A_998 {offsets = [0, 0], sizes = [256, 1024], strides = [1, 1]} : vector<256x2048xi16> to vector<256x1024xi16>
    %slice3A_1000 = vector.extract_strided_slice %add3A_998 {offsets = [0, 1024], sizes = [256, 1024], strides = [1, 1]} : vector<256x2048xi16> to vector<256x1024xi16>
    %add3A_1001 = arith.addi %slice3A_999, %slice3A_1000 : vector<256x1024xi16>
    %slice3A_1002 = vector.extract_strided_slice %add3A_1001 {offsets = [0, 0], sizes = [256, 512], strides = [1, 1]} : vector<256x1024xi16> to vector<256x512xi16>
    %slice3A_1003 = vector.extract_strided_slice %add3A_1001 {offsets = [0, 512], sizes = [256, 512], strides = [1, 1]} : vector<256x1024xi16> to vector<256x512xi16>
    %add3A_1004 = arith.addi %slice3A_1002, %slice3A_1003 : vector<256x512xi16>
    %slice3A_1005 = vector.extract_strided_slice %add3A_1004 {offsets = [0, 0], sizes = [256, 256], strides = [1, 1]} : vector<256x512xi16> to vector<256x256xi16>
    %slice3A_1006 = vector.extract_strided_slice %add3A_1004 {offsets = [0, 256], sizes = [256, 256], strides = [1, 1]} : vector<256x512xi16> to vector<256x256xi16>
    %add3A_1007 = arith.addi %slice3A_1005, %slice3A_1006 : vector<256x256xi16>
    %slice3A_1008 = vector.extract_strided_slice %add3A_1007 {offsets = [0, 0], sizes = [256, 128], strides = [1, 1]} : vector<256x256xi16> to vector<256x128xi16>
    %slice3A_1009 = vector.extract_strided_slice %add3A_1007 {offsets = [0, 128], sizes = [256, 128], strides = [1, 1]} : vector<256x256xi16> to vector<256x128xi16>
    %add3A_1010 = arith.addi %slice3A_1008, %slice3A_1009 : vector<256x128xi16>
    %convert_element_type3A_1011 = arith.sitofp %add3A_1010 : vector<256x128xi16> to vector<256x128xf32>
    %reduce_sum3A_1012 = arith.constant dense<0.000000e+00> : vector<256xf32>
    %reduce_sum3A_1013 = vector.multi_reduction <add>, %convert_element_type3A_1011, %reduce_sum3A_1012 [1] : vector<256x128xf32> to vector<256xf32>
    %broadcast_in_dim3A_1014 = vector.shape_cast %reduce_sum3A_1013 : vector<256xf32> to vector<256x1xf32>
    %lt3A_1015 = arith.cmpf olt, %broadcast_in_dim3A_1014, %sub3A_528 : vector<256x1xf32>
    %select_n3A_1016 = arith.select %lt3A_1015, %add3A_987, %select_n3A_984 : vector<256x1xi1>, vector<256x1xi32>
    %shift_left3A = arith.constant 15 : i32
    %shift_left3A_1017 = vector.broadcast %shift_left3A : i32 to vector<256x1xi32>
    %shift_left3A_1018 = arith.shli %select_n3A_499, %shift_left3A_1017 : vector<256x1xi32>
    %or3A = arith.ori %shift_left3A_1018, %select_n3A_1016 : vector<256x1xi32>
    %le3A = vector.broadcast %or3A : vector<256x1xi32> to vector<256x4096xi32>
    %le3A_1019 = arith.cmpi sle, %bitcast_convert_type3A, %le3A : vector<256x4096xi32>
    %broadcast_in_dim3A_1020 = arith.constant 4096 : i32
    %broadcast_in_dim3A_1021 = vector.broadcast %broadcast_in_dim3A_1020 : i32 to vector<256x1xi32>
    %swap3A = arith.constant 0 : index
    %swap3A_1022 = arith.constant 0 : index
    %swap3A_1023 = vector.load %arg8[%swap3A, %swap3A_1022] : memref<256x1xi32, #tpu.memory_space<vmem>>, vector<256x1xi32>
    tpu.vector_store %arg8[%swap3A, %swap3A_1022], %broadcast_in_dim3A_1021 {strides = array<i32>} : memref<256x1xi32, #tpu.memory_space<vmem>>, vector<256x1xi32>,
    %jit3A_1024 = arith.constant 1.000000e+00 : f32
    %jit3A_1025 = arith.constant 0.000000e+00 : f32
    %broadcast_in_dim3A_1026 = vector.broadcast %jit3A_1024 : f32 to vector<256x4096xf32>
    %broadcast_in_dim3A_1027 = vector.broadcast %jit3A_1025 : f32 to vector<256x4096xf32>
    %select_n3A_1028 = arith.select %le3A_1019, %broadcast_in_dim3A_1026, %broadcast_in_dim3A_1027 : vector<256x4096xi1>, vector<256x4096xf32>
    %slice3A_1029 = vector.extract_strided_slice %select_n3A_1028 {offsets = [0, 0], sizes = [256, 2048], strides = [1, 1]} : vector<256x4096xf32> to vector<256x2048xf32>
    %slice3A_1030 = vector.extract_strided_slice %select_n3A_1028 {offsets = [0, 2048], sizes = [256, 2048], strides = [1, 1]} : vector<256x4096xf32> to vector<256x2048xf32>
    %add3A_1031 = arith.addf %slice3A_1029, %slice3A_1030 : vector<256x2048xf32>
    %slice3A_1032 = vector.extract_strided_slice %add3A_1031 {offsets = [0, 0], sizes = [256, 1024], strides = [1, 1]} : vector<256x2048xf32> to vector<256x1024xf32>
    %slice3A_1033 = vector.extract_strided_slice %add3A_1031 {offsets = [0, 1024], sizes = [256, 1024], strides = [1, 1]} : vector<256x2048xf32> to vector<256x1024xf32>
    %add3A_1034 = arith.addf %slice3A_1032, %slice3A_1033 : vector<256x1024xf32>
    %slice3A_1035 = vector.extract_strided_slice %add3A_1034 {offsets = [0, 0], sizes = [256, 512], strides = [1, 1]} : vector<256x1024xf32> to vector<256x512xf32>
    %slice3A_1036 = vector.extract_strided_slice %add3A_1034 {offsets = [0, 512], sizes = [256, 512], strides = [1, 1]} : vector<256x1024xf32> to vector<256x512xf32>
    %add3A_1037 = arith.addf %slice3A_1035, %slice3A_1036 : vector<256x512xf32>
    %slice3A_1038 = vector.extract_strided_slice %add3A_1037 {offsets = [0, 0], sizes = [256, 256], strides = [1, 1]} : vector<256x512xf32> to vector<256x256xf32>
    %slice3A_1039 = vector.extract_strided_slice %add3A_1037 {offsets = [0, 256], sizes = [256, 256], strides = [1, 1]} : vector<256x512xf32> to vector<256x256xf32>
    %add3A_1040 = arith.addf %slice3A_1038, %slice3A_1039 : vector<256x256xf32>
    %slice3A_1041 = vector.extract_strided_slice %add3A_1040 {offsets = [0, 0], sizes = [256, 128], strides = [1, 1]} : vector<256x256xf32> to vector<256x128xf32>
    %slice3A_1042 = vector.extract_strided_slice %add3A_1040 {offsets = [0, 128], sizes = [256, 128], strides = [1, 1]} : vector<256x256xf32> to vector<256x128xf32>
    %add3A_1043 = arith.addf %slice3A_1041, %slice3A_1042 : vector<256x128xf32>
    %reduce_sum3A_1044 = arith.constant dense<0.000000e+00> : vector<256xf32>
    %reduce_sum3A_1045 = vector.multi_reduction <add>, %add3A_1043, %reduce_sum3A_1044 [1] : vector<256x128xf32> to vector<256xf32>
    %broadcast_in_dim3A_1046 = vector.shape_cast %reduce_sum3A_1045 : vector<256xf32> to vector<256x1xf32>
    %reduce_max3A = vector.shape_cast %broadcast_in_dim3A_1046 : vector<256x1xf32> to vector<1x256x1xf32>
    %reduce_max3A_1047 = arith.constant dense<0xFF800000> : vector<1xf32>
    %reduce_max3A_1048 = vector.multi_reduction <maximumf>, %reduce_max3A, %reduce_max3A_1047 [1, 2] : vector<1x256x1xf32> to vector<1xf32>
    %reduce_max3A_1049 = vector.shape_cast %reduce_max3A_1048 : vector<1xf32> to vector<1x1x1xf32>
    %reduce_max3A_1050 = vector.extract %reduce_max3A_1049[0, 0, 0] : f32 from vector<1x1x1xf32>
    %gt3A = arith.cmpf ogt, %reduce_max3A_1050, %convert_element_type3A : f32
    %convert_element_type3A_1051 = arith.extui %gt3A : i1 to i32
    %cond3A = arith.constant 0 : i32
    %cond3A_1052 = arith.cmpi ne, %convert_element_type3A_1051, %cond3A : i32
    scf.if %cond3A_1052 {
      %eq3A_1089 = vector.broadcast %or3A : vector<256x1xi32> to vector<256x4096xi32>
      %eq3A_1090 = arith.cmpi eq, %bitcast_convert_type3A, %eq3A_1089 : vector<256x4096xi32>
      %lt3A_1091 = vector.broadcast %or3A : vector<256x1xi32> to vector<256x4096xi32>
      %lt3A_1092 = arith.cmpi slt, %bitcast_convert_type3A, %lt3A_1091 : vector<256x4096xi32>
      %jit3A_1093 = arith.constant 1.000000e+00 : f32
      %jit3A_1094 = arith.constant 0.000000e+00 : f32
      %broadcast_in_dim3A_1095 = vector.broadcast %jit3A_1093 : f32 to vector<256x4096xf32>
      %broadcast_in_dim3A_1096 = vector.broadcast %jit3A_1094 : f32 to vector<256x4096xf32>
      %select_n3A_1097 = arith.select %lt3A_1092, %broadcast_in_dim3A_1095, %broadcast_in_dim3A_1096 : vector<256x4096xi1>, vector<256x4096xf32>
      %slice3A_1098 = vector.extract_strided_slice %select_n3A_1097 {offsets = [0, 0], sizes = [256, 2048], strides = [1, 1]} : vector<256x4096xf32> to vector<256x2048xf32>
      %slice3A_1099 = vector.extract_strided_slice %select_n3A_1097 {offsets = [0, 2048], sizes = [256, 2048], strides = [1, 1]} : vector<256x4096xf32> to vector<256x2048xf32>
      %add3A_1100 = arith.addf %slice3A_1098, %slice3A_1099 : vector<256x2048xf32>
      %slice3A_1101 = vector.extract_strided_slice %add3A_1100 {offsets = [0, 0], sizes = [256, 1024], strides = [1, 1]} : vector<256x2048xf32> to vector<256x1024xf32>
      %slice3A_1102 = vector.extract_strided_slice %add3A_1100 {offsets = [0, 1024], sizes = [256, 1024], strides = [1, 1]} : vector<256x2048xf32> to vector<256x1024xf32>
      %add3A_1103 = arith.addf %slice3A_1101, %slice3A_1102 : vector<256x1024xf32>
      %slice3A_1104 = vector.extract_strided_slice %add3A_1103 {offsets = [0, 0], sizes = [256, 512], strides = [1, 1]} : vector<256x1024xf32> to vector<256x512xf32>
      %slice3A_1105 = vector.extract_strided_slice %add3A_1103 {offsets = [0, 512], sizes = [256, 512], strides = [1, 1]} : vector<256x1024xf32> to vector<256x512xf32>
      %add3A_1106 = arith.addf %slice3A_1104, %slice3A_1105 : vector<256x512xf32>
      %slice3A_1107 = vector.extract_strided_slice %add3A_1106 {offsets = [0, 0], sizes = [256, 256], strides = [1, 1]} : vector<256x512xf32> to vector<256x256xf32>
      %slice3A_1108 = vector.extract_strided_slice %add3A_1106 {offsets = [0, 256], sizes = [256, 256], strides = [1, 1]} : vector<256x512xf32> to vector<256x256xf32>
      %add3A_1109 = arith.addf %slice3A_1107, %slice3A_1108 : vector<256x256xf32>
      %slice3A_1110 = vector.extract_strided_slice %add3A_1109 {offsets = [0, 0], sizes = [256, 128], strides = [1, 1]} : vector<256x256xf32> to vector<256x128xf32>
      %slice3A_1111 = vector.extract_strided_slice %add3A_1109 {offsets = [0, 128], sizes = [256, 128], strides = [1, 1]} : vector<256x256xf32> to vector<256x128xf32>
      %add3A_1112 = arith.addf %slice3A_1110, %slice3A_1111 : vector<256x128xf32>
      %reduce_sum3A_1113 = arith.constant dense<0.000000e+00> : vector<256xf32>
      %reduce_sum3A_1114 = vector.multi_reduction <add>, %add3A_1112, %reduce_sum3A_1113 [1] : vector<256x128xf32> to vector<256xf32>
      %broadcast_in_dim3A_1115 = vector.shape_cast %reduce_sum3A_1114 : vector<256xf32> to vector<256x1xf32>
      %sub3A_1116 = vector.broadcast %convert_element_type3A : f32 to vector<256x1xf32>
      %sub3A_1117 = arith.subf %sub3A_1116, %broadcast_in_dim3A_1115 : vector<256x1xf32>
      %jit3A_1118 = arith.constant 4096 : i32
      %broadcast_in_dim3A_1119 = vector.broadcast %jit3A_1118 : i32 to vector<256x4096xi32>
      %select_n3A_1120 = arith.select %eq3A_1090, %iota3A, %broadcast_in_dim3A_1119 : vector<256x4096xi1>, vector<256x4096xi32>
      %broadcast_in_dim3A_1121 = arith.constant 0 : i32
      %broadcast_in_dim3A_1122 = vector.broadcast %broadcast_in_dim3A_1121 : i32 to vector<256x1xi32>
      %add3A_1123 = arith.constant 2048 : i32
      %add3A_1124 = vector.broadcast %add3A_1123 : i32 to vector<256x1xi32>
      %add3A_1125 = arith.addi %broadcast_in_dim3A_1122, %add3A_1124 : vector<256x1xi32>
      %lt3A_1126 = vector.broadcast %add3A_1125 : vector<256x1xi32> to vector<256x4096xi32>
      %lt3A_1127 = arith.cmpi slt, %select_n3A_1120, %lt3A_1126 : vector<256x4096xi32>
      %jit3A_1128 = arith.constant 1.000000e+00 : f32
      %jit3A_1129 = arith.constant 0.000000e+00 : f32
      %broadcast_in_dim3A_1130 = vector.broadcast %jit3A_1128 : f32 to vector<256x4096xf32>
      %broadcast_in_dim3A_1131 = vector.broadcast %jit3A_1129 : f32 to vector<256x4096xf32>
      %select_n3A_1132 = arith.select %lt3A_1127, %broadcast_in_dim3A_1130, %broadcast_in_dim3A_1131 : vector<256x4096xi1>, vector<256x4096xf32>
      %slice3A_1133 = vector.extract_strided_slice %select_n3A_1132 {offsets = [0, 0], sizes = [256, 2048], strides = [1, 1]} : vector<256x4096xf32> to vector<256x2048xf32>
      %slice3A_1134 = vector.extract_strided_slice %select_n3A_1132 {offsets = [0, 2048], sizes = [256, 2048], strides = [1, 1]} : vector<256x4096xf32> to vector<256x2048xf32>
      %add3A_1135 = arith.addf %slice3A_1133, %slice3A_1134 : vector<256x2048xf32>
      %slice3A_1136 = vector.extract_strided_slice %add3A_1135 {offsets = [0, 0], sizes = [256, 1024], strides = [1, 1]} : vector<256x2048xf32> to vector<256x1024xf32>
      %slice3A_1137 = vector.extract_strided_slice %add3A_1135 {offsets = [0, 1024], sizes = [256, 1024], strides = [1, 1]} : vector<256x2048xf32> to vector<256x1024xf32>
      %add3A_1138 = arith.addf %slice3A_1136, %slice3A_1137 : vector<256x1024xf32>
      %slice3A_1139 = vector.extract_strided_slice %add3A_1138 {offsets = [0, 0], sizes = [256, 512], strides = [1, 1]} : vector<256x1024xf32> to vector<256x512xf32>
      %slice3A_1140 = vector.extract_strided_slice %add3A_1138 {offsets = [0, 512], sizes = [256, 512], strides = [1, 1]} : vector<256x1024xf32> to vector<256x512xf32>
      %add3A_1141 = arith.addf %slice3A_1139, %slice3A_1140 : vector<256x512xf32>
      %slice3A_1142 = vector.extract_strided_slice %add3A_1141 {offsets = [0, 0], sizes = [256, 256], strides = [1, 1]} : vector<256x512xf32> to vector<256x256xf32>
      %slice3A_1143 = vector.extract_strided_slice %add3A_1141 {offsets = [0, 256], sizes = [256, 256], strides = [1, 1]} : vector<256x512xf32> to vector<256x256xf32>
      %add3A_1144 = arith.addf %slice3A_1142, %slice3A_1143 : vector<256x256xf32>
      %slice3A_1145 = vector.extract_strided_slice %add3A_1144 {offsets = [0, 0], sizes = [256, 128], strides = [1, 1]} : vector<256x256xf32> to vector<256x128xf32>
      %slice3A_1146 = vector.extract_strided_slice %add3A_1144 {offsets = [0, 128], sizes = [256, 128], strides = [1, 1]} : vector<256x256xf32> to vector<256x128xf32>
      %add3A_1147 = arith.addf %slice3A_1145, %slice3A_1146 : vector<256x128xf32>
      %reduce_sum3A_1148 = arith.constant dense<0.000000e+00> : vector<256xf32>
      %reduce_sum3A_1149 = vector.multi_reduction <add>, %add3A_1147, %reduce_sum3A_1148 [1] : vector<256x128xf32> to vector<256xf32>
      %broadcast_in_dim3A_1150 = vector.shape_cast %reduce_sum3A_1149 : vector<256xf32> to vector<256x1xf32>
      %lt3A_1151 = arith.cmpf olt, %broadcast_in_dim3A_1150, %sub3A_1117 : vector<256x1xf32>
      %select_n3A_1152 = arith.select %lt3A_1151, %add3A_1125, %broadcast_in_dim3A_1122 : vector<256x1xi1>, vector<256x1xi32>
      %add3A_1153 = arith.constant 1024 : i32
      %add3A_1154 = vector.broadcast %add3A_1153 : i32 to vector<256x1xi32>
      %add3A_1155 = arith.addi %select_n3A_1152, %add3A_1154 : vector<256x1xi32>
      %lt3A_1156 = vector.broadcast %add3A_1155 : vector<256x1xi32> to vector<256x4096xi32>
      %lt3A_1157 = arith.cmpi slt, %select_n3A_1120, %lt3A_1156 : vector<256x4096xi32>
      %jit3A_1158 = arith.constant 1.000000e+00 : f32
      %jit3A_1159 = arith.constant 0.000000e+00 : f32
      %broadcast_in_dim3A_1160 = vector.broadcast %jit3A_1158 : f32 to vector<256x4096xf32>
      %broadcast_in_dim3A_1161 = vector.broadcast %jit3A_1159 : f32 to vector<256x4096xf32>
      %select_n3A_1162 = arith.select %lt3A_1157, %broadcast_in_dim3A_1160, %broadcast_in_dim3A_1161 : vector<256x4096xi1>, vector<256x4096xf32>
      %slice3A_1163 = vector.extract_strided_slice %select_n3A_1162 {offsets = [0, 0], sizes = [256, 2048], strides = [1, 1]} : vector<256x4096xf32> to vector<256x2048xf32>
      %slice3A_1164 = vector.extract_strided_slice %select_n3A_1162 {offsets = [0, 2048], sizes = [256, 2048], strides = [1, 1]} : vector<256x4096xf32> to vector<256x2048xf32>
      %add3A_1165 = arith.addf %slice3A_1163, %slice3A_1164 : vector<256x2048xf32>
      %slice3A_1166 = vector.extract_strided_slice %add3A_1165 {offsets = [0, 0], sizes = [256, 1024], strides = [1, 1]} : vector<256x2048xf32> to vector<256x1024xf32>
      %slice3A_1167 = vector.extract_strided_slice %add3A_1165 {offsets = [0, 1024], sizes = [256, 1024], strides = [1, 1]} : vector<256x2048xf32> to vector<256x1024xf32>
      %add3A_1168 = arith.addf %slice3A_1166, %slice3A_1167 : vector<256x1024xf32>
      %slice3A_1169 = vector.extract_strided_slice %add3A_1168 {offsets = [0, 0], sizes = [256, 512], strides = [1, 1]} : vector<256x1024xf32> to vector<256x512xf32>
      %slice3A_1170 = vector.extract_strided_slice %add3A_1168 {offsets = [0, 512], sizes = [256, 512], strides = [1, 1]} : vector<256x1024xf32> to vector<256x512xf32>
      %add3A_1171 = arith.addf %slice3A_1169, %slice3A_1170 : vector<256x512xf32>
      %slice3A_1172 = vector.extract_strided_slice %add3A_1171 {offsets = [0, 0], sizes = [256, 256], strides = [1, 1]} : vector<256x512xf32> to vector<256x256xf32>
      %slice3A_1173 = vector.extract_strided_slice %add3A_1171 {offsets = [0, 256], sizes = [256, 256], strides = [1, 1]} : vector<256x512xf32> to vector<256x256xf32>
      %add3A_1174 = arith.addf %slice3A_1172, %slice3A_1173 : vector<256x256xf32>
      %slice3A_1175 = vector.extract_strided_slice %add3A_1174 {offsets = [0, 0], sizes = [256, 128], strides = [1, 1]} : vector<256x256xf32> to vector<256x128xf32>
      %slice3A_1176 = vector.extract_strided_slice %add3A_1174 {offsets = [0, 128], sizes = [256, 128], strides = [1, 1]} : vector<256x256xf32> to vector<256x128xf32>
      %add3A_1177 = arith.addf %slice3A_1175, %slice3A_1176 : vector<256x128xf32>
      %reduce_sum3A_1178 = arith.constant dense<0.000000e+00> : vector<256xf32>
      %reduce_sum3A_1179 = vector.multi_reduction <add>, %add3A_1177, %reduce_sum3A_1178 [1] : vector<256x128xf32> to vector<256xf32>
      %broadcast_in_dim3A_1180 = vector.shape_cast %reduce_sum3A_1179 : vector<256xf32> to vector<256x1xf32>
      %lt3A_1181 = arith.cmpf olt, %broadcast_in_dim3A_1180, %sub3A_1117 : vector<256x1xf32>
      %select_n3A_1182 = arith.select %lt3A_1181, %add3A_1155, %select_n3A_1152 : vector<256x1xi1>, vector<256x1xi32>
      %add3A_1183 = arith.constant 512 : i32
      %add3A_1184 = vector.broadcast %add3A_1183 : i32 to vector<256x1xi32>
      %add3A_1185 = arith.addi %select_n3A_1182, %add3A_1184 : vector<256x1xi32>
      %lt3A_1186 = vector.broadcast %add3A_1185 : vector<256x1xi32> to vector<256x4096xi32>
      %lt3A_1187 = arith.cmpi slt, %select_n3A_1120, %lt3A_1186 : vector<256x4096xi32>
      %jit3A_1188 = arith.constant 1.000000e+00 : f32
      %jit3A_1189 = arith.constant 0.000000e+00 : f32
      %broadcast_in_dim3A_1190 = vector.broadcast %jit3A_1188 : f32 to vector<256x4096xf32>
      %broadcast_in_dim3A_1191 = vector.broadcast %jit3A_1189 : f32 to vector<256x4096xf32>
      %select_n3A_1192 = arith.select %lt3A_1187, %broadcast_in_dim3A_1190, %broadcast_in_dim3A_1191 : vector<256x4096xi1>, vector<256x4096xf32>
      %slice3A_1193 = vector.extract_strided_slice %select_n3A_1192 {offsets = [0, 0], sizes = [256, 2048], strides = [1, 1]} : vector<256x4096xf32> to vector<256x2048xf32>
      %slice3A_1194 = vector.extract_strided_slice %select_n3A_1192 {offsets = [0, 2048], sizes = [256, 2048], strides = [1, 1]} : vector<256x4096xf32> to vector<256x2048xf32>
      %add3A_1195 = arith.addf %slice3A_1193, %slice3A_1194 : vector<256x2048xf32>
      %slice3A_1196 = vector.extract_strided_slice %add3A_1195 {offsets = [0, 0], sizes = [256, 1024], strides = [1, 1]} : vector<256x2048xf32> to vector<256x1024xf32>
      %slice3A_1197 = vector.extract_strided_slice %add3A_1195 {offsets = [0, 1024], sizes = [256, 1024], strides = [1, 1]} : vector<256x2048xf32> to vector<256x1024xf32>
      %add3A_1198 = arith.addf %slice3A_1196, %slice3A_1197 : vector<256x1024xf32>
      %slice3A_1199 = vector.extract_strided_slice %add3A_1198 {offsets = [0, 0], sizes = [256, 512], strides = [1, 1]} : vector<256x1024xf32> to vector<256x512xf32>
      %slice3A_1200 = vector.extract_strided_slice %add3A_1198 {offsets = [0, 512], sizes = [256, 512], strides = [1, 1]} : vector<256x1024xf32> to vector<256x512xf32>
      %add3A_1201 = arith.addf %slice3A_1199, %slice3A_1200 : vector<256x512xf32>
      %slice3A_1202 = vector.extract_strided_slice %add3A_1201 {offsets = [0, 0], sizes = [256, 256], strides = [1, 1]} : vector<256x512xf32> to vector<256x256xf32>
      %slice3A_1203 = vector.extract_strided_slice %add3A_1201 {offsets = [0, 256], sizes = [256, 256], strides = [1, 1]} : vector<256x512xf32> to vector<256x256xf32>
      %add3A_1204 = arith.addf %slice3A_1202, %slice3A_1203 : vector<256x256xf32>
      %slice3A_1205 = vector.extract_strided_slice %add3A_1204 {offsets = [0, 0], sizes = [256, 128], strides = [1, 1]} : vector<256x256xf32> to vector<256x128xf32>
      %slice3A_1206 = vector.extract_strided_slice %add3A_1204 {offsets = [0, 128], sizes = [256, 128], strides = [1, 1]} : vector<256x256xf32> to vector<256x128xf32>
      %add3A_1207 = arith.addf %slice3A_1205, %slice3A_1206 : vector<256x128xf32>
      %reduce_sum3A_1208 = arith.constant dense<0.000000e+00> : vector<256xf32>
      %reduce_sum3A_1209 = vector.multi_reduction <add>, %add3A_1207, %reduce_sum3A_1208 [1] : vector<256x128xf32> to vector<256xf32>
      %broadcast_in_dim3A_1210 = vector.shape_cast %reduce_sum3A_1209 : vector<256xf32> to vector<256x1xf32>
      %lt3A_1211 = arith.cmpf olt, %broadcast_in_dim3A_1210, %sub3A_1117 : vector<256x1xf32>
      %select_n3A_1212 = arith.select %lt3A_1211, %add3A_1185, %select_n3A_1182 : vector<256x1xi1>, vector<256x1xi32>
      %add3A_1213 = arith.constant 256 : i32
      %add3A_1214 = vector.broadcast %add3A_1213 : i32 to vector<256x1xi32>
      %add3A_1215 = arith.addi %select_n3A_1212, %add3A_1214 : vector<256x1xi32>
      %lt3A_1216 = vector.broadcast %add3A_1215 : vector<256x1xi32> to vector<256x4096xi32>
      %lt3A_1217 = arith.cmpi slt, %select_n3A_1120, %lt3A_1216 : vector<256x4096xi32>
      %jit3A_1218 = arith.constant 1.000000e+00 : f32
      %jit3A_1219 = arith.constant 0.000000e+00 : f32
      %broadcast_in_dim3A_1220 = vector.broadcast %jit3A_1218 : f32 to vector<256x4096xf32>
      %broadcast_in_dim3A_1221 = vector.broadcast %jit3A_1219 : f32 to vector<256x4096xf32>
      %select_n3A_1222 = arith.select %lt3A_1217, %broadcast_in_dim3A_1220, %broadcast_in_dim3A_1221 : vector<256x4096xi1>, vector<256x4096xf32>
      %slice3A_1223 = vector.extract_strided_slice %select_n3A_1222 {offsets = [0, 0], sizes = [256, 2048], strides = [1, 1]} : vector<256x4096xf32> to vector<256x2048xf32>
      %slice3A_1224 = vector.extract_strided_slice %select_n3A_1222 {offsets = [0, 2048], sizes = [256, 2048], strides = [1, 1]} : vector<256x4096xf32> to vector<256x2048xf32>
      %add3A_1225 = arith.addf %slice3A_1223, %slice3A_1224 : vector<256x2048xf32>
      %slice3A_1226 = vector.extract_strided_slice %add3A_1225 {offsets = [0, 0], sizes = [256, 1024], strides = [1, 1]} : vector<256x2048xf32> to vector<256x1024xf32>
      %slice3A_1227 = vector.extract_strided_slice %add3A_1225 {offsets = [0, 1024], sizes = [256, 1024], strides = [1, 1]} : vector<256x2048xf32> to vector<256x1024xf32>
      %add3A_1228 = arith.addf %slice3A_1226, %slice3A_1227 : vector<256x1024xf32>
      %slice3A_1229 = vector.extract_strided_slice %add3A_1228 {offsets = [0, 0], sizes = [256, 512], strides = [1, 1]} : vector<256x1024xf32> to vector<256x512xf32>
      %slice3A_1230 = vector.extract_strided_slice %add3A_1228 {offsets = [0, 512], sizes = [256, 512], strides = [1, 1]} : vector<256x1024xf32> to vector<256x512xf32>
      %add3A_1231 = arith.addf %slice3A_1229, %slice3A_1230 : vector<256x512xf32>
      %slice3A_1232 = vector.extract_strided_slice %add3A_1231 {offsets = [0, 0], sizes = [256, 256], strides = [1, 1]} : vector<256x512xf32> to vector<256x256xf32>
      %slice3A_1233 = vector.extract_strided_slice %add3A_1231 {offsets = [0, 256], sizes = [256, 256], strides = [1, 1]} : vector<256x512xf32> to vector<256x256xf32>
      %add3A_1234 = arith.addf %slice3A_1232, %slice3A_1233 : vector<256x256xf32>
      %slice3A_1235 = vector.extract_strided_slice %add3A_1234 {offsets = [0, 0], sizes = [256, 128], strides = [1, 1]} : vector<256x256xf32> to vector<256x128xf32>
      %slice3A_1236 = vector.extract_strided_slice %add3A_1234 {offsets = [0, 128], sizes = [256, 128], strides = [1, 1]} : vector<256x256xf32> to vector<256x128xf32>
      %add3A_1237 = arith.addf %slice3A_1235, %slice3A_1236 : vector<256x128xf32>
      %reduce_sum3A_1238 = arith.constant dense<0.000000e+00> : vector<256xf32>
      %reduce_sum3A_1239 = vector.multi_reduction <add>, %add3A_1237, %reduce_sum3A_1238 [1] : vector<256x128xf32> to vector<256xf32>
      %broadcast_in_dim3A_1240 = vector.shape_cast %reduce_sum3A_1239 : vector<256xf32> to vector<256x1xf32>
      %lt3A_1241 = arith.cmpf olt, %broadcast_in_dim3A_1240, %sub3A_1117 : vector<256x1xf32>
      %select_n3A_1242 = arith.select %lt3A_1241, %add3A_1215, %select_n3A_1212 : vector<256x1xi1>, vector<256x1xi32>
      %add3A_1243 = arith.constant 128 : i32
      %add3A_1244 = vector.broadcast %add3A_1243 : i32 to vector<256x1xi32>
      %add3A_1245 = arith.addi %select_n3A_1242, %add3A_1244 : vector<256x1xi32>
      %lt3A_1246 = vector.broadcast %add3A_1245 : vector<256x1xi32> to vector<256x4096xi32>
      %lt3A_1247 = arith.cmpi slt, %select_n3A_1120, %lt3A_1246 : vector<256x4096xi32>
      %jit3A_1248 = arith.constant 1.000000e+00 : f32
      %jit3A_1249 = arith.constant 0.000000e+00 : f32
      %broadcast_in_dim3A_1250 = vector.broadcast %jit3A_1248 : f32 to vector<256x4096xf32>
      %broadcast_in_dim3A_1251 = vector.broadcast %jit3A_1249 : f32 to vector<256x4096xf32>
      %select_n3A_1252 = arith.select %lt3A_1247, %broadcast_in_dim3A_1250, %broadcast_in_dim3A_1251 : vector<256x4096xi1>, vector<256x4096xf32>
      %slice3A_1253 = vector.extract_strided_slice %select_n3A_1252 {offsets = [0, 0], sizes = [256, 2048], strides = [1, 1]} : vector<256x4096xf32> to vector<256x2048xf32>
      %slice3A_1254 = vector.extract_strided_slice %select_n3A_1252 {offsets = [0, 2048], sizes = [256, 2048], strides = [1, 1]} : vector<256x4096xf32> to vector<256x2048xf32>
      %add3A_1255 = arith.addf %slice3A_1253, %slice3A_1254 : vector<256x2048xf32>
      %slice3A_1256 = vector.extract_strided_slice %add3A_1255 {offsets = [0, 0], sizes = [256, 1024], strides = [1, 1]} : vector<256x2048xf32> to vector<256x1024xf32>
      %slice3A_1257 = vector.extract_strided_slice %add3A_1255 {offsets = [0, 1024], sizes = [256, 1024], strides = [1, 1]} : vector<256x2048xf32> to vector<256x1024xf32>
      %add3A_1258 = arith.addf %slice3A_1256, %slice3A_1257 : vector<256x1024xf32>
      %slice3A_1259 = vector.extract_strided_slice %add3A_1258 {offsets = [0, 0], sizes = [256, 512], strides = [1, 1]} : vector<256x1024xf32> to vector<256x512xf32>
      %slice3A_1260 = vector.extract_strided_slice %add3A_1258 {offsets = [0, 512], sizes = [256, 512], strides = [1, 1]} : vector<256x1024xf32> to vector<256x512xf32>
      %add3A_1261 = arith.addf %slice3A_1259, %slice3A_1260 : vector<256x512xf32>
      %slice3A_1262 = vector.extract_strided_slice %add3A_1261 {offsets = [0, 0], sizes = [256, 256], strides = [1, 1]} : vector<256x512xf32> to vector<256x256xf32>
      %slice3A_1263 = vector.extract_strided_slice %add3A_1261 {offsets = [0, 256], sizes = [256, 256], strides = [1, 1]} : vector<256x512xf32> to vector<256x256xf32>
      %add3A_1264 = arith.addf %slice3A_1262, %slice3A_1263 : vector<256x256xf32>
      %slice3A_1265 = vector.extract_strided_slice %add3A_1264 {offsets = [0, 0], sizes = [256, 128], strides = [1, 1]} : vector<256x256xf32> to vector<256x128xf32>
      %slice3A_1266 = vector.extract_strided_slice %add3A_1264 {offsets = [0, 128], sizes = [256, 128], strides = [1, 1]} : vector<256x256xf32> to vector<256x128xf32>
      %add3A_1267 = arith.addf %slice3A_1265, %slice3A_1266 : vector<256x128xf32>
      %reduce_sum3A_1268 = arith.constant dense<0.000000e+00> : vector<256xf32>
      %reduce_sum3A_1269 = vector.multi_reduction <add>, %add3A_1267, %reduce_sum3A_1268 [1] : vector<256x128xf32> to vector<256xf32>
      %broadcast_in_dim3A_1270 = vector.shape_cast %reduce_sum3A_1269 : vector<256xf32> to vector<256x1xf32>
      %lt3A_1271 = arith.cmpf olt, %broadcast_in_dim3A_1270, %sub3A_1117 : vector<256x1xf32>
      %select_n3A_1272 = arith.select %lt3A_1271, %add3A_1245, %select_n3A_1242 : vector<256x1xi1>, vector<256x1xi32>
      %add3A_1273 = arith.constant 64 : i32
      %add3A_1274 = vector.broadcast %add3A_1273 : i32 to vector<256x1xi32>
      %add3A_1275 = arith.addi %select_n3A_1272, %add3A_1274 : vector<256x1xi32>
      %lt3A_1276 = vector.broadcast %add3A_1275 : vector<256x1xi32> to vector<256x4096xi32>
      %lt3A_1277 = arith.cmpi slt, %select_n3A_1120, %lt3A_1276 : vector<256x4096xi32>
      %jit3A_1278 = arith.constant 1.000000e+00 : f32
      %jit3A_1279 = arith.constant 0.000000e+00 : f32
      %broadcast_in_dim3A_1280 = vector.broadcast %jit3A_1278 : f32 to vector<256x4096xf32>
      %broadcast_in_dim3A_1281 = vector.broadcast %jit3A_1279 : f32 to vector<256x4096xf32>
      %select_n3A_1282 = arith.select %lt3A_1277, %broadcast_in_dim3A_1280, %broadcast_in_dim3A_1281 : vector<256x4096xi1>, vector<256x4096xf32>
      %slice3A_1283 = vector.extract_strided_slice %select_n3A_1282 {offsets = [0, 0], sizes = [256, 2048], strides = [1, 1]} : vector<256x4096xf32> to vector<256x2048xf32>
      %slice3A_1284 = vector.extract_strided_slice %select_n3A_1282 {offsets = [0, 2048], sizes = [256, 2048], strides = [1, 1]} : vector<256x4096xf32> to vector<256x2048xf32>
      %add3A_1285 = arith.addf %slice3A_1283, %slice3A_1284 : vector<256x2048xf32>
      %slice3A_1286 = vector.extract_strided_slice %add3A_1285 {offsets = [0, 0], sizes = [256, 1024], strides = [1, 1]} : vector<256x2048xf32> to vector<256x1024xf32>
      %slice3A_1287 = vector.extract_strided_slice %add3A_1285 {offsets = [0, 1024], sizes = [256, 1024], strides = [1, 1]} : vector<256x2048xf32> to vector<256x1024xf32>
      %add3A_1288 = arith.addf %slice3A_1286, %slice3A_1287 : vector<256x1024xf32>
      %slice3A_1289 = vector.extract_strided_slice %add3A_1288 {offsets = [0, 0], sizes = [256, 512], strides = [1, 1]} : vector<256x1024xf32> to vector<256x512xf32>
      %slice3A_1290 = vector.extract_strided_slice %add3A_1288 {offsets = [0, 512], sizes = [256, 512], strides = [1, 1]} : vector<256x1024xf32> to vector<256x512xf32>
      %add3A_1291 = arith.addf %slice3A_1289, %slice3A_1290 : vector<256x512xf32>
      %slice3A_1292 = vector.extract_strided_slice %add3A_1291 {offsets = [0, 0], sizes = [256, 256], strides = [1, 1]} : vector<256x512xf32> to vector<256x256xf32>
      %slice3A_1293 = vector.extract_strided_slice %add3A_1291 {offsets = [0, 256], sizes = [256, 256], strides = [1, 1]} : vector<256x512xf32> to vector<256x256xf32>
      %add3A_1294 = arith.addf %slice3A_1292, %slice3A_1293 : vector<256x256xf32>
      %slice3A_1295 = vector.extract_strided_slice %add3A_1294 {offsets = [0, 0], sizes = [256, 128], strides = [1, 1]} : vector<256x256xf32> to vector<256x128xf32>
      %slice3A_1296 = vector.extract_strided_slice %add3A_1294 {offsets = [0, 128], sizes = [256, 128], strides = [1, 1]} : vector<256x256xf32> to vector<256x128xf32>
      %add3A_1297 = arith.addf %slice3A_1295, %slice3A_1296 : vector<256x128xf32>
      %reduce_sum3A_1298 = arith.constant dense<0.000000e+00> : vector<256xf32>
      %reduce_sum3A_1299 = vector.multi_reduction <add>, %add3A_1297, %reduce_sum3A_1298 [1] : vector<256x128xf32> to vector<256xf32>
      %broadcast_in_dim3A_1300 = vector.shape_cast %reduce_sum3A_1299 : vector<256xf32> to vector<256x1xf32>
      %lt3A_1301 = arith.cmpf olt, %broadcast_in_dim3A_1300, %sub3A_1117 : vector<256x1xf32>
      %select_n3A_1302 = arith.select %lt3A_1301, %add3A_1275, %select_n3A_1272 : vector<256x1xi1>, vector<256x1xi32>
      %add3A_1303 = arith.constant 32 : i32
      %add3A_1304 = vector.broadcast %add3A_1303 : i32 to vector<256x1xi32>
      %add3A_1305 = arith.addi %select_n3A_1302, %add3A_1304 : vector<256x1xi32>
      %lt3A_1306 = vector.broadcast %add3A_1305 : vector<256x1xi32> to vector<256x4096xi32>
      %lt3A_1307 = arith.cmpi slt, %select_n3A_1120, %lt3A_1306 : vector<256x4096xi32>
      %jit3A_1308 = arith.constant 1.000000e+00 : f32
      %jit3A_1309 = arith.constant 0.000000e+00 : f32
      %broadcast_in_dim3A_1310 = vector.broadcast %jit3A_1308 : f32 to vector<256x4096xf32>
      %broadcast_in_dim3A_1311 = vector.broadcast %jit3A_1309 : f32 to vector<256x4096xf32>
      %select_n3A_1312 = arith.select %lt3A_1307, %broadcast_in_dim3A_1310, %broadcast_in_dim3A_1311 : vector<256x4096xi1>, vector<256x4096xf32>
      %slice3A_1313 = vector.extract_strided_slice %select_n3A_1312 {offsets = [0, 0], sizes = [256, 2048], strides = [1, 1]} : vector<256x4096xf32> to vector<256x2048xf32>
      %slice3A_1314 = vector.extract_strided_slice %select_n3A_1312 {offsets = [0, 2048], sizes = [256, 2048], strides = [1, 1]} : vector<256x4096xf32> to vector<256x2048xf32>
      %add3A_1315 = arith.addf %slice3A_1313, %slice3A_1314 : vector<256x2048xf32>
      %slice3A_1316 = vector.extract_strided_slice %add3A_1315 {offsets = [0, 0], sizes = [256, 1024], strides = [1, 1]} : vector<256x2048xf32> to vector<256x1024xf32>
      %slice3A_1317 = vector.extract_strided_slice %add3A_1315 {offsets = [0, 1024], sizes = [256, 1024], strides = [1, 1]} : vector<256x2048xf32> to vector<256x1024xf32>
      %add3A_1318 = arith.addf %slice3A_1316, %slice3A_1317 : vector<256x1024xf32>
      %slice3A_1319 = vector.extract_strided_slice %add3A_1318 {offsets = [0, 0], sizes = [256, 512], strides = [1, 1]} : vector<256x1024xf32> to vector<256x512xf32>
      %slice3A_1320 = vector.extract_strided_slice %add3A_1318 {offsets = [0, 512], sizes = [256, 512], strides = [1, 1]} : vector<256x1024xf32> to vector<256x512xf32>
      %add3A_1321 = arith.addf %slice3A_1319, %slice3A_1320 : vector<256x512xf32>
      %slice3A_1322 = vector.extract_strided_slice %add3A_1321 {offsets = [0, 0], sizes = [256, 256], strides = [1, 1]} : vector<256x512xf32> to vector<256x256xf32>
      %slice3A_1323 = vector.extract_strided_slice %add3A_1321 {offsets = [0, 256], sizes = [256, 256], strides = [1, 1]} : vector<256x512xf32> to vector<256x256xf32>
      %add3A_1324 = arith.addf %slice3A_1322, %slice3A_1323 : vector<256x256xf32>
      %slice3A_1325 = vector.extract_strided_slice %add3A_1324 {offsets = [0, 0], sizes = [256, 128], strides = [1, 1]} : vector<256x256xf32> to vector<256x128xf32>
      %slice3A_1326 = vector.extract_strided_slice %add3A_1324 {offsets = [0, 128], sizes = [256, 128], strides = [1, 1]} : vector<256x256xf32> to vector<256x128xf32>
      %add3A_1327 = arith.addf %slice3A_1325, %slice3A_1326 : vector<256x128xf32>
      %reduce_sum3A_1328 = arith.constant dense<0.000000e+00> : vector<256xf32>
      %reduce_sum3A_1329 = vector.multi_reduction <add>, %add3A_1327, %reduce_sum3A_1328 [1] : vector<256x128xf32> to vector<256xf32>
      %broadcast_in_dim3A_1330 = vector.shape_cast %reduce_sum3A_1329 : vector<256xf32> to vector<256x1xf32>
      %lt3A_1331 = arith.cmpf olt, %broadcast_in_dim3A_1330, %sub3A_1117 : vector<256x1xf32>
      %select_n3A_1332 = arith.select %lt3A_1331, %add3A_1305, %select_n3A_1302 : vector<256x1xi1>, vector<256x1xi32>
      %add3A_1333 = arith.constant 16 : i32
      %add3A_1334 = vector.broadcast %add3A_1333 : i32 to vector<256x1xi32>
      %add3A_1335 = arith.addi %select_n3A_1332, %add3A_1334 : vector<256x1xi32>
      %lt3A_1336 = vector.broadcast %add3A_1335 : vector<256x1xi32> to vector<256x4096xi32>
      %lt3A_1337 = arith.cmpi slt, %select_n3A_1120, %lt3A_1336 : vector<256x4096xi32>
      %jit3A_1338 = arith.constant 1.000000e+00 : f32
      %jit3A_1339 = arith.constant 0.000000e+00 : f32
      %broadcast_in_dim3A_1340 = vector.broadcast %jit3A_1338 : f32 to vector<256x4096xf32>
      %broadcast_in_dim3A_1341 = vector.broadcast %jit3A_1339 : f32 to vector<256x4096xf32>
      %select_n3A_1342 = arith.select %lt3A_1337, %broadcast_in_dim3A_1340, %broadcast_in_dim3A_1341 : vector<256x4096xi1>, vector<256x4096xf32>
      %slice3A_1343 = vector.extract_strided_slice %select_n3A_1342 {offsets = [0, 0], sizes = [256, 2048], strides = [1, 1]} : vector<256x4096xf32> to vector<256x2048xf32>
      %slice3A_1344 = vector.extract_strided_slice %select_n3A_1342 {offsets = [0, 2048], sizes = [256, 2048], strides = [1, 1]} : vector<256x4096xf32> to vector<256x2048xf32>
      %add3A_1345 = arith.addf %slice3A_1343, %slice3A_1344 : vector<256x2048xf32>
      %slice3A_1346 = vector.extract_strided_slice %add3A_1345 {offsets = [0, 0], sizes = [256, 1024], strides = [1, 1]} : vector<256x2048xf32> to vector<256x1024xf32>
      %slice3A_1347 = vector.extract_strided_slice %add3A_1345 {offsets = [0, 1024], sizes = [256, 1024], strides = [1, 1]} : vector<256x2048xf32> to vector<256x1024xf32>
      %add3A_1348 = arith.addf %slice3A_1346, %slice3A_1347 : vector<256x1024xf32>
      %slice3A_1349 = vector.extract_strided_slice %add3A_1348 {offsets = [0, 0], sizes = [256, 512], strides = [1, 1]} : vector<256x1024xf32> to vector<256x512xf32>
      %slice3A_1350 = vector.extract_strided_slice %add3A_1348 {offsets = [0, 512], sizes = [256, 512], strides = [1, 1]} : vector<256x1024xf32> to vector<256x512xf32>
      %add3A_1351 = arith.addf %slice3A_1349, %slice3A_1350 : vector<256x512xf32>
      %slice3A_1352 = vector.extract_strided_slice %add3A_1351 {offsets = [0, 0], sizes = [256, 256], strides = [1, 1]} : vector<256x512xf32> to vector<256x256xf32>
      %slice3A_1353 = vector.extract_strided_slice %add3A_1351 {offsets = [0, 256], sizes = [256, 256], strides = [1, 1]} : vector<256x512xf32> to vector<256x256xf32>
      %add3A_1354 = arith.addf %slice3A_1352, %slice3A_1353 : vector<256x256xf32>
      %slice3A_1355 = vector.extract_strided_slice %add3A_1354 {offsets = [0, 0], sizes = [256, 128], strides = [1, 1]} : vector<256x256xf32> to vector<256x128xf32>
      %slice3A_1356 = vector.extract_strided_slice %add3A_1354 {offsets = [0, 128], sizes = [256, 128], strides = [1, 1]} : vector<256x256xf32> to vector<256x128xf32>
      %add3A_1357 = arith.addf %slice3A_1355, %slice3A_1356 : vector<256x128xf32>
      %reduce_sum3A_1358 = arith.constant dense<0.000000e+00> : vector<256xf32>
      %reduce_sum3A_1359 = vector.multi_reduction <add>, %add3A_1357, %reduce_sum3A_1358 [1] : vector<256x128xf32> to vector<256xf32>
      %broadcast_in_dim3A_1360 = vector.shape_cast %reduce_sum3A_1359 : vector<256xf32> to vector<256x1xf32>
      %lt3A_1361 = arith.cmpf olt, %broadcast_in_dim3A_1360, %sub3A_1117 : vector<256x1xf32>
      %select_n3A_1362 = arith.select %lt3A_1361, %add3A_1335, %select_n3A_1332 : vector<256x1xi1>, vector<256x1xi32>
      %add3A_1363 = arith.constant 8 : i32
      %add3A_1364 = vector.broadcast %add3A_1363 : i32 to vector<256x1xi32>
      %add3A_1365 = arith.addi %select_n3A_1362, %add3A_1364 : vector<256x1xi32>
      %lt3A_1366 = vector.broadcast %add3A_1365 : vector<256x1xi32> to vector<256x4096xi32>
      %lt3A_1367 = arith.cmpi slt, %select_n3A_1120, %lt3A_1366 : vector<256x4096xi32>
      %jit3A_1368 = arith.constant 1.000000e+00 : f32
      %jit3A_1369 = arith.constant 0.000000e+00 : f32
      %broadcast_in_dim3A_1370 = vector.broadcast %jit3A_1368 : f32 to vector<256x4096xf32>
      %broadcast_in_dim3A_1371 = vector.broadcast %jit3A_1369 : f32 to vector<256x4096xf32>
      %select_n3A_1372 = arith.select %lt3A_1367, %broadcast_in_dim3A_1370, %broadcast_in_dim3A_1371 : vector<256x4096xi1>, vector<256x4096xf32>
      %slice3A_1373 = vector.extract_strided_slice %select_n3A_1372 {offsets = [0, 0], sizes = [256, 2048], strides = [1, 1]} : vector<256x4096xf32> to vector<256x2048xf32>
      %slice3A_1374 = vector.extract_strided_slice %select_n3A_1372 {offsets = [0, 2048], sizes = [256, 2048], strides = [1, 1]} : vector<256x4096xf32> to vector<256x2048xf32>
      %add3A_1375 = arith.addf %slice3A_1373, %slice3A_1374 : vector<256x2048xf32>
      %slice3A_1376 = vector.extract_strided_slice %add3A_1375 {offsets = [0, 0], sizes = [256, 1024], strides = [1, 1]} : vector<256x2048xf32> to vector<256x1024xf32>
      %slice3A_1377 = vector.extract_strided_slice %add3A_1375 {offsets = [0, 1024], sizes = [256, 1024], strides = [1, 1]} : vector<256x2048xf32> to vector<256x1024xf32>
      %add3A_1378 = arith.addf %slice3A_1376, %slice3A_1377 : vector<256x1024xf32>
      %slice3A_1379 = vector.extract_strided_slice %add3A_1378 {offsets = [0, 0], sizes = [256, 512], strides = [1, 1]} : vector<256x1024xf32> to vector<256x512xf32>
      %slice3A_1380 = vector.extract_strided_slice %add3A_1378 {offsets = [0, 512], sizes = [256, 512], strides = [1, 1]} : vector<256x1024xf32> to vector<256x512xf32>
      %add3A_1381 = arith.addf %slice3A_1379, %slice3A_1380 : vector<256x512xf32>
      %slice3A_1382 = vector.extract_strided_slice %add3A_1381 {offsets = [0, 0], sizes = [256, 256], strides = [1, 1]} : vector<256x512xf32> to vector<256x256xf32>
      %slice3A_1383 = vector.extract_strided_slice %add3A_1381 {offsets = [0, 256], sizes = [256, 256], strides = [1, 1]} : vector<256x512xf32> to vector<256x256xf32>
      %add3A_1384 = arith.addf %slice3A_1382, %slice3A_1383 : vector<256x256xf32>
      %slice3A_1385 = vector.extract_strided_slice %add3A_1384 {offsets = [0, 0], sizes = [256, 128], strides = [1, 1]} : vector<256x256xf32> to vector<256x128xf32>
      %slice3A_1386 = vector.extract_strided_slice %add3A_1384 {offsets = [0, 128], sizes = [256, 128], strides = [1, 1]} : vector<256x256xf32> to vector<256x128xf32>
      %add3A_1387 = arith.addf %slice3A_1385, %slice3A_1386 : vector<256x128xf32>
      %reduce_sum3A_1388 = arith.constant dense<0.000000e+00> : vector<256xf32>
      %reduce_sum3A_1389 = vector.multi_reduction <add>, %add3A_1387, %reduce_sum3A_1388 [1] : vector<256x128xf32> to vector<256xf32>
      %broadcast_in_dim3A_1390 = vector.shape_cast %reduce_sum3A_1389 : vector<256xf32> to vector<256x1xf32>
      %lt3A_1391 = arith.cmpf olt, %broadcast_in_dim3A_1390, %sub3A_1117 : vector<256x1xf32>
      %select_n3A_1392 = arith.select %lt3A_1391, %add3A_1365, %select_n3A_1362 : vector<256x1xi1>, vector<256x1xi32>
      %add3A_1393 = arith.constant 4 : i32
      %add3A_1394 = vector.broadcast %add3A_1393 : i32 to vector<256x1xi32>
      %add3A_1395 = arith.addi %select_n3A_1392, %add3A_1394 : vector<256x1xi32>
      %lt3A_1396 = vector.broadcast %add3A_1395 : vector<256x1xi32> to vector<256x4096xi32>
      %lt3A_1397 = arith.cmpi slt, %select_n3A_1120, %lt3A_1396 : vector<256x4096xi32>
      %jit3A_1398 = arith.constant 1.000000e+00 : f32
      %jit3A_1399 = arith.constant 0.000000e+00 : f32
      %broadcast_in_dim3A_1400 = vector.broadcast %jit3A_1398 : f32 to vector<256x4096xf32>
      %broadcast_in_dim3A_1401 = vector.broadcast %jit3A_1399 : f32 to vector<256x4096xf32>
      %select_n3A_1402 = arith.select %lt3A_1397, %broadcast_in_dim3A_1400, %broadcast_in_dim3A_1401 : vector<256x4096xi1>, vector<256x4096xf32>
      %slice3A_1403 = vector.extract_strided_slice %select_n3A_1402 {offsets = [0, 0], sizes = [256, 2048], strides = [1, 1]} : vector<256x4096xf32> to vector<256x2048xf32>
      %slice3A_1404 = vector.extract_strided_slice %select_n3A_1402 {offsets = [0, 2048], sizes = [256, 2048], strides = [1, 1]} : vector<256x4096xf32> to vector<256x2048xf32>
      %add3A_1405 = arith.addf %slice3A_1403, %slice3A_1404 : vector<256x2048xf32>
      %slice3A_1406 = vector.extract_strided_slice %add3A_1405 {offsets = [0, 0], sizes = [256, 1024], strides = [1, 1]} : vector<256x2048xf32> to vector<256x1024xf32>
      %slice3A_1407 = vector.extract_strided_slice %add3A_1405 {offsets = [0, 1024], sizes = [256, 1024], strides = [1, 1]} : vector<256x2048xf32> to vector<256x1024xf32>
      %add3A_1408 = arith.addf %slice3A_1406, %slice3A_1407 : vector<256x1024xf32>
      %slice3A_1409 = vector.extract_strided_slice %add3A_1408 {offsets = [0, 0], sizes = [256, 512], strides = [1, 1]} : vector<256x1024xf32> to vector<256x512xf32>
      %slice3A_1410 = vector.extract_strided_slice %add3A_1408 {offsets = [0, 512], sizes = [256, 512], strides = [1, 1]} : vector<256x1024xf32> to vector<256x512xf32>
      %add3A_1411 = arith.addf %slice3A_1409, %slice3A_1410 : vector<256x512xf32>
      %slice3A_1412 = vector.extract_strided_slice %add3A_1411 {offsets = [0, 0], sizes = [256, 256], strides = [1, 1]} : vector<256x512xf32> to vector<256x256xf32>
      %slice3A_1413 = vector.extract_strided_slice %add3A_1411 {offsets = [0, 256], sizes = [256, 256], strides = [1, 1]} : vector<256x512xf32> to vector<256x256xf32>
      %add3A_1414 = arith.addf %slice3A_1412, %slice3A_1413 : vector<256x256xf32>
      %slice3A_1415 = vector.extract_strided_slice %add3A_1414 {offsets = [0, 0], sizes = [256, 128], strides = [1, 1]} : vector<256x256xf32> to vector<256x128xf32>
      %slice3A_1416 = vector.extract_strided_slice %add3A_1414 {offsets = [0, 128], sizes = [256, 128], strides = [1, 1]} : vector<256x256xf32> to vector<256x128xf32>
      %add3A_1417 = arith.addf %slice3A_1415, %slice3A_1416 : vector<256x128xf32>
      %reduce_sum3A_1418 = arith.constant dense<0.000000e+00> : vector<256xf32>
      %reduce_sum3A_1419 = vector.multi_reduction <add>, %add3A_1417, %reduce_sum3A_1418 [1] : vector<256x128xf32> to vector<256xf32>
      %broadcast_in_dim3A_1420 = vector.shape_cast %reduce_sum3A_1419 : vector<256xf32> to vector<256x1xf32>
      %lt3A_1421 = arith.cmpf olt, %broadcast_in_dim3A_1420, %sub3A_1117 : vector<256x1xf32>
      %select_n3A_1422 = arith.select %lt3A_1421, %add3A_1395, %select_n3A_1392 : vector<256x1xi1>, vector<256x1xi32>
      %add3A_1423 = arith.constant 2 : i32
      %add3A_1424 = vector.broadcast %add3A_1423 : i32 to vector<256x1xi32>
      %add3A_1425 = arith.addi %select_n3A_1422, %add3A_1424 : vector<256x1xi32>
      %lt3A_1426 = vector.broadcast %add3A_1425 : vector<256x1xi32> to vector<256x4096xi32>
      %lt3A_1427 = arith.cmpi slt, %select_n3A_1120, %lt3A_1426 : vector<256x4096xi32>
      %jit3A_1428 = arith.constant 1.000000e+00 : f32
      %jit3A_1429 = arith.constant 0.000000e+00 : f32
      %broadcast_in_dim3A_1430 = vector.broadcast %jit3A_1428 : f32 to vector<256x4096xf32>
      %broadcast_in_dim3A_1431 = vector.broadcast %jit3A_1429 : f32 to vector<256x4096xf32>
      %select_n3A_1432 = arith.select %lt3A_1427, %broadcast_in_dim3A_1430, %broadcast_in_dim3A_1431 : vector<256x4096xi1>, vector<256x4096xf32>
      %slice3A_1433 = vector.extract_strided_slice %select_n3A_1432 {offsets = [0, 0], sizes = [256, 2048], strides = [1, 1]} : vector<256x4096xf32> to vector<256x2048xf32>
      %slice3A_1434 = vector.extract_strided_slice %select_n3A_1432 {offsets = [0, 2048], sizes = [256, 2048], strides = [1, 1]} : vector<256x4096xf32> to vector<256x2048xf32>
      %add3A_1435 = arith.addf %slice3A_1433, %slice3A_1434 : vector<256x2048xf32>
      %slice3A_1436 = vector.extract_strided_slice %add3A_1435 {offsets = [0, 0], sizes = [256, 1024], strides = [1, 1]} : vector<256x2048xf32> to vector<256x1024xf32>
      %slice3A_1437 = vector.extract_strided_slice %add3A_1435 {offsets = [0, 1024], sizes = [256, 1024], strides = [1, 1]} : vector<256x2048xf32> to vector<256x1024xf32>
      %add3A_1438 = arith.addf %slice3A_1436, %slice3A_1437 : vector<256x1024xf32>
      %slice3A_1439 = vector.extract_strided_slice %add3A_1438 {offsets = [0, 0], sizes = [256, 512], strides = [1, 1]} : vector<256x1024xf32> to vector<256x512xf32>
      %slice3A_1440 = vector.extract_strided_slice %add3A_1438 {offsets = [0, 512], sizes = [256, 512], strides = [1, 1]} : vector<256x1024xf32> to vector<256x512xf32>
      %add3A_1441 = arith.addf %slice3A_1439, %slice3A_1440 : vector<256x512xf32>
      %slice3A_1442 = vector.extract_strided_slice %add3A_1441 {offsets = [0, 0], sizes = [256, 256], strides = [1, 1]} : vector<256x512xf32> to vector<256x256xf32>
      %slice3A_1443 = vector.extract_strided_slice %add3A_1441 {offsets = [0, 256], sizes = [256, 256], strides = [1, 1]} : vector<256x512xf32> to vector<256x256xf32>
      %add3A_1444 = arith.addf %slice3A_1442, %slice3A_1443 : vector<256x256xf32>
      %slice3A_1445 = vector.extract_strided_slice %add3A_1444 {offsets = [0, 0], sizes = [256, 128], strides = [1, 1]} : vector<256x256xf32> to vector<256x128xf32>
      %slice3A_1446 = vector.extract_strided_slice %add3A_1444 {offsets = [0, 128], sizes = [256, 128], strides = [1, 1]} : vector<256x256xf32> to vector<256x128xf32>
      %add3A_1447 = arith.addf %slice3A_1445, %slice3A_1446 : vector<256x128xf32>
      %reduce_sum3A_1448 = arith.constant dense<0.000000e+00> : vector<256xf32>
      %reduce_sum3A_1449 = vector.multi_reduction <add>, %add3A_1447, %reduce_sum3A_1448 [1] : vector<256x128xf32> to vector<256xf32>
      %broadcast_in_dim3A_1450 = vector.shape_cast %reduce_sum3A_1449 : vector<256xf32> to vector<256x1xf32>
      %lt3A_1451 = arith.cmpf olt, %broadcast_in_dim3A_1450, %sub3A_1117 : vector<256x1xf32>
      %select_n3A_1452 = arith.select %lt3A_1451, %add3A_1425, %select_n3A_1422 : vector<256x1xi1>, vector<256x1xi32>
      %add3A_1453 = arith.constant 1 : i32
      %add3A_1454 = vector.broadcast %add3A_1453 : i32 to vector<256x1xi32>
      %add3A_1455 = arith.addi %select_n3A_1452, %add3A_1454 : vector<256x1xi32>
      %lt3A_1456 = vector.broadcast %add3A_1455 : vector<256x1xi32> to vector<256x4096xi32>
      %lt3A_1457 = arith.cmpi slt, %select_n3A_1120, %lt3A_1456 : vector<256x4096xi32>
      %jit3A_1458 = arith.constant 1.000000e+00 : f32
      %jit3A_1459 = arith.constant 0.000000e+00 : f32
      %broadcast_in_dim3A_1460 = vector.broadcast %jit3A_1458 : f32 to vector<256x4096xf32>
      %broadcast_in_dim3A_1461 = vector.broadcast %jit3A_1459 : f32 to vector<256x4096xf32>
      %select_n3A_1462 = arith.select %lt3A_1457, %broadcast_in_dim3A_1460, %broadcast_in_dim3A_1461 : vector<256x4096xi1>, vector<256x4096xf32>
      %slice3A_1463 = vector.extract_strided_slice %select_n3A_1462 {offsets = [0, 0], sizes = [256, 2048], strides = [1, 1]} : vector<256x4096xf32> to vector<256x2048xf32>
      %slice3A_1464 = vector.extract_strided_slice %select_n3A_1462 {offsets = [0, 2048], sizes = [256, 2048], strides = [1, 1]} : vector<256x4096xf32> to vector<256x2048xf32>
      %add3A_1465 = arith.addf %slice3A_1463, %slice3A_1464 : vector<256x2048xf32>
      %slice3A_1466 = vector.extract_strided_slice %add3A_1465 {offsets = [0, 0], sizes = [256, 1024], strides = [1, 1]} : vector<256x2048xf32> to vector<256x1024xf32>
      %slice3A_1467 = vector.extract_strided_slice %add3A_1465 {offsets = [0, 1024], sizes = [256, 1024], strides = [1, 1]} : vector<256x2048xf32> to vector<256x1024xf32>
      %add3A_1468 = arith.addf %slice3A_1466, %slice3A_1467 : vector<256x1024xf32>
      %slice3A_1469 = vector.extract_strided_slice %add3A_1468 {offsets = [0, 0], sizes = [256, 512], strides = [1, 1]} : vector<256x1024xf32> to vector<256x512xf32>
      %slice3A_1470 = vector.extract_strided_slice %add3A_1468 {offsets = [0, 512], sizes = [256, 512], strides = [1, 1]} : vector<256x1024xf32> to vector<256x512xf32>
      %add3A_1471 = arith.addf %slice3A_1469, %slice3A_1470 : vector<256x512xf32>
      %slice3A_1472 = vector.extract_strided_slice %add3A_1471 {offsets = [0, 0], sizes = [256, 256], strides = [1, 1]} : vector<256x512xf32> to vector<256x256xf32>
      %slice3A_1473 = vector.extract_strided_slice %add3A_1471 {offsets = [0, 256], sizes = [256, 256], strides = [1, 1]} : vector<256x512xf32> to vector<256x256xf32>
      %add3A_1474 = arith.addf %slice3A_1472, %slice3A_1473 : vector<256x256xf32>
      %slice3A_1475 = vector.extract_strided_slice %add3A_1474 {offsets = [0, 0], sizes = [256, 128], strides = [1, 1]} : vector<256x256xf32> to vector<256x128xf32>
      %slice3A_1476 = vector.extract_strided_slice %add3A_1474 {offsets = [0, 128], sizes = [256, 128], strides = [1, 1]} : vector<256x256xf32> to vector<256x128xf32>
      %add3A_1477 = arith.addf %slice3A_1475, %slice3A_1476 : vector<256x128xf32>
      %reduce_sum3A_1478 = arith.constant dense<0.000000e+00> : vector<256xf32>
      %reduce_sum3A_1479 = vector.multi_reduction <add>, %add3A_1477, %reduce_sum3A_1478 [1] : vector<256x128xf32> to vector<256xf32>
      %broadcast_in_dim3A_1480 = vector.shape_cast %reduce_sum3A_1479 : vector<256xf32> to vector<256x1xf32>
      %lt3A_1481 = arith.cmpf olt, %broadcast_in_dim3A_1480, %sub3A_1117 : vector<256x1xf32>
      %select_n3A_1482 = arith.select %lt3A_1481, %add3A_1455, %select_n3A_1452 : vector<256x1xi1>, vector<256x1xi32>
      %swap3A_1483 = arith.constant 0 : index
      %swap3A_1484 = arith.constant 0 : index
      %swap3A_1485 = vector.load %arg8[%swap3A_1483, %swap3A_1484] : memref<256x1xi32, #tpu.memory_space<vmem>>, vector<256x1xi32>
      tpu.vector_store %arg8[%swap3A_1483, %swap3A_1484], %select_n3A_1482 {strides = array<i32>} : memref<256x1xi32, #tpu.memory_space<vmem>>, vector<256x1xi32>,
    } else {
    }
    %ne3A = vector.broadcast %or3A : vector<256x1xi32> to vector<256x4096xi32>
    %ne3A_1053 = arith.cmpi ne, %bitcast_convert_type3A, %ne3A : vector<256x4096xi32>
    %get3A_1054 = arith.constant 0 : index
    %get3A_1055 = arith.constant 0 : index
    %get3A_1056 = vector.load %arg8[%get3A_1054, %get3A_1055] : memref<256x1xi32, #tpu.memory_space<vmem>>, vector<256x1xi32>
    %le3A_1057 = vector.broadcast %get3A_1056 : vector<256x1xi32> to vector<256x4096xi32>
    %le3A_1058 = arith.cmpi sle, %iota3A, %le3A_1057 : vector<256x4096xi32>
    %or3A_1059 = arith.ori %ne3A_1053, %le3A_1058 : vector<256x4096xi1>
    %and3A_1060 = arith.andi %le3A_1019, %or3A_1059 : vector<256x4096xi1>
    %neg3A = arith.constant 0.000000e+00 : f32
    %neg3A_1061 = arith.subf %neg3A, %get3A_3 : f32
    %mul3A = vector.broadcast %neg3A_1061 : f32 to vector<256x4096xf32>
    %mul3A_1062 = arith.mulf %mul3A, %get3A_1 : vector<256x4096xf32>
    %exp3A = math.exp %mul3A_1062 : vector<256x4096xf32>
    %jit3A_1063 = arith.constant 0.000000e+00 : f32
    %broadcast_in_dim3A_1064 = vector.broadcast %jit3A_1063 : f32 to vector<256x4096xf32>
    %select_n3A_1065 = arith.select %and3A_1060, %exp3A, %broadcast_in_dim3A_1064 : vector<256x4096xi1>, vector<256x4096xf32>
    %reduce_sum3A_1066 = arith.constant dense<0.000000e+00> : vector<256xf32>
    %reduce_sum3A_1067 = vector.multi_reduction <add>, %select_n3A_1065, %reduce_sum3A_1066 [1] : vector<256x4096xf32> to vector<256xf32>
    %broadcast_in_dim3A_1068 = vector.shape_cast %reduce_sum3A_1067 : vector<256xf32> to vector<256x1xf32>
    %div3A = vector.broadcast %broadcast_in_dim3A_1068 : vector<256x1xf32> to vector<256x4096xf32>
    %div3A_1069 = arith.divf %select_n3A_1065, %div3A : vector<256x4096xf32>
    %convert_element_type3A_1070 = arith.truncf %div3A_1069 : vector<256x4096xf32> to vector<256x4096xbf16>
    %swap3A_1071 = arith.constant 0 : index
    %swap3A_1072 = arith.constant 0 : index
    %swap3A_1073 = vector.load %arg6[%swap3A_1071, %swap3A_1072] : memref<256x4096xbf16, #tpu.memory_space<vmem>>, vector<256x4096xbf16>
    tpu.vector_store %arg6[%swap3A_1071, %swap3A_1072], %convert_element_type3A_1070 {strides = array<i32>} : memref<256x4096xbf16, #tpu.memory_space<vmem>>, vector<256x4096xbf16>,
    %get3A_1074 = arith.constant 0 : index
    %get3A_1075 = arith.constant 0 : index
    %get3A_1076 = vector.load %arg4[%get3A_1074, %get3A_1075] : memref<4096x128xbf16, #tpu.memory_space<vmem>>, vector<4096x128xbf16>
    %dot_general3A = arith.constant dense<0.000000e+00> : vector<256x128xf32>
    %dot_general3A_1077 = tpu.matmul %convert_element_type3A_1070, %get3A_1076, %dot_general3A {dimension_numbers = #tpu.dot_dimension_numbers<[1], [0], [0], [1], [0, 0, 1, 1], [], []>, transpose_lhs_hint = false} : vector<256x4096xbf16>, vector<4096x128xbf16>, vector<256x128xf32> -> vector<256x128xf32>
    %get3A_1078 = arith.constant 0 : index
    %get3A_1079 = arith.constant 0 : index
    %get3A_1080 = vector.load %arg5[%get3A_1078, %get3A_1079] : memref<1x128xf32, #tpu.memory_space<vmem>>, vector<1x128xf32>
    %add3A_1081 = vector.broadcast %get3A_1080 : vector<1x128xf32> to vector<256x128xf32>
    %add3A_1082 = arith.addf %dot_general3A_1077, %add3A_1081 : vector<256x128xf32>
    %max3A = arith.constant 0.000000e+00 : f32
    %max3A_1083 = vector.broadcast %max3A : f32 to vector<256x128xf32>
    %max3A_1084 = arith.maximumf %add3A_1082, %max3A_1083 : vector<256x128xf32>
    %convert_element_type3A_1085 = arith.truncf %max3A_1084 : vector<256x128xf32> to vector<256x128xbf16>
    %swap3A_1086 = arith.constant 0 : index
    %swap3A_1087 = arith.constant 0 : index
    %swap3A_1088 = vector.load %arg7[%swap3A_1086, %swap3A_1087] : memref<256x128xbf16, #tpu.memory_space<vmem>>, vector<256x128xbf16>
    tpu.vector_store %arg7[%swap3A_1086, %swap3A_1087], %convert_element_type3A_1085 {strides = array<i32>} : memref<256x128xbf16, #tpu.memory_space<vmem>>, vector<256x128xbf16>,
    return
  }
  func.func @transform_0(%arg0: i32, %arg1: memref<1xf32, #tpu.memory_space<smem>>, %arg2: memref<1xi32, #tpu.memory_space<smem>>) -> (i32, i32) {
    %c0_i32 = arith.constant 0 : i32
    %c0_i32_0 = arith.constant 0 : i32
    return %arg0, %c0_i32 : i32, i32
  }
  func.func @transform_1(%arg0: i32, %arg1: memref<1xf32, #tpu.memory_space<smem>>, %arg2: memref<1xi32, #tpu.memory_space<smem>>) -> (i32, i32) {
    %c0_i32 = arith.constant 0 : i32
    %c0_i32_0 = arith.constant 0 : i32
    %c0_i32_1 = arith.constant 0 : i32
    return %c0_i32, %c0_i32_0 : i32, i32
  }
  func.func @transform_2(%arg0: i32, %arg1: memref<1xf32, #tpu.memory_space<smem>>, %arg2: memref<1xi32, #tpu.memory_space<smem>>) -> (i32, i32) {
    %c0_i32 = arith.constant 0 : i32
    %c0_i32_0 = arith.constant 0 : i32
    %c0_i32_1 = arith.constant 0 : i32
    return %c0_i32, %c0_i32_0 : i32, i32
  }
  func.func @transform_3(%arg0: i32, %arg1: memref<1xf32, #tpu.memory_space<smem>>, %arg2: memref<1xi32, #tpu.memory_space<smem>>) -> (i32, i32) {
    %c0_i32 = arith.constant 0 : i32
    %c0_i32_0 = arith.constant 0 : i32
    return %arg0, %c0_i32 : i32, i32
  }
  func.func @transform_4(%arg0: i32, %arg1: memref<1xf32, #tpu.memory_space<smem>>, %arg2: memref<1xi32, #tpu.memory_space<smem>>) -> (i32, i32) {
    %c0_i32 = arith.constant 0 : i32
    %c0_i32_0 = arith.constant 0 : i32
    return %arg0, %c0_i32 : i32, i32
  }
}

module attributes {stable_mosaic.version = 14 : i64} {
  func.func @_l2_body(%arg0: i32, %arg1: memref<512x4096xbf16, #tpu.memory_space<vmem>>, %arg2: memref<4096x128xbf16, #tpu.memory_space<vmem>>, %arg3: memref<128x16xf32, #tpu.memory_space<vmem>>, %arg4: memref<1x16xf32, #tpu.memory_space<vmem>>, %arg5: memref<512x16xf32, #tpu.memory_space<vmem>>) attributes {dimension_semantics = [#tpu.dimension_semantics<arbitrary>], iteration_bounds = array<i64: 8>, scalar_prefetch = 0 : i64, scratch_operands = 0 : i64, tpu.core_type = #tpu.core_type<tc>, window_params = [{transform_indices = @transform_0, window_bounds = array<i64: 512, 4096>}, {pipeline_mode = #tpu.pipeline_mode<synchronous>, transform_indices = @transform_1, window_bounds = array<i64: 4096, 128>}, {pipeline_mode = #tpu.pipeline_mode<synchronous>, transform_indices = @transform_2, window_bounds = array<i64: 128, 16>}, {pipeline_mode = #tpu.pipeline_mode<synchronous>, transform_indices = @transform_3, window_bounds = array<i64: 1, 16>}, {transform_indices = @transform_4, window_bounds = array<i64: 512, 16>}]} {
    %get3A = arith.constant 0 : index
    %get3A_0 = arith.constant 0 : index
    %get3A_1 = vector.load %arg2[%get3A, %get3A_0] : memref<4096x128xbf16, #tpu.memory_space<vmem>>, vector<4096x128xbf16>
    %get3A_2 = arith.constant 0 : index
    %get3A_3 = arith.constant 0 : index
    %get3A_4 = vector.load %arg3[%get3A_2, %get3A_3] : memref<128x16xf32, #tpu.memory_space<vmem>>, vector<128x16xf32>
    %convert_element_type3A = arith.truncf %get3A_4 : vector<128x16xf32> to vector<128x16xbf16>
    %dot_general3A = arith.constant dense<0.000000e+00> : vector<4096x16xf32>
    %dot_general3A_5 = tpu.matmul %get3A_1, %convert_element_type3A, %dot_general3A {dimension_numbers = #tpu.dot_dimension_numbers<[1], [0], [0], [1], [0, 0, 1, 1], [], []>, transpose_lhs_hint = false} : vector<4096x128xbf16>, vector<128x16xbf16>, vector<4096x16xf32> -> vector<4096x16xf32>
    %get3A_6 = arith.constant 0 : index
    %get3A_7 = arith.constant 0 : index
    %get3A_8 = vector.load %arg1[%get3A_6, %get3A_7] : memref<512x4096xbf16, #tpu.memory_space<vmem>>, vector<512x4096xbf16>
    %convert_element_type3A_9 = arith.truncf %dot_general3A_5 : vector<4096x16xf32> to vector<4096x16xbf16>
    %dot_general3A_10 = arith.constant dense<0.000000e+00> : vector<512x16xf32>
    %dot_general3A_11 = tpu.matmul %get3A_8, %convert_element_type3A_9, %dot_general3A_10 {dimension_numbers = #tpu.dot_dimension_numbers<[1], [0], [0], [1], [0, 0, 1, 1], [], []>, transpose_lhs_hint = false} : vector<512x4096xbf16>, vector<4096x16xbf16>, vector<512x16xf32> -> vector<512x16xf32>
    %get3A_12 = arith.constant 0 : index
    %get3A_13 = arith.constant 0 : index
    %get3A_14 = vector.load %arg4[%get3A_12, %get3A_13] : memref<1x16xf32, #tpu.memory_space<vmem>>, vector<1x16xf32>
    %add3A = vector.broadcast %get3A_14 : vector<1x16xf32> to vector<512x16xf32>
    %add3A_15 = arith.addf %dot_general3A_11, %add3A : vector<512x16xf32>
    %reduce_max3A = arith.constant dense<0xFF800000> : vector<512xf32>
    %reduce_max3A_16 = vector.multi_reduction <maximumf>, %add3A_15, %reduce_max3A [1] : vector<512x16xf32> to vector<512xf32>
    %broadcast_in_dim3A = vector.shape_cast %reduce_max3A_16 : vector<512xf32> to vector<512x1xf32>
    %sub3A = vector.broadcast %broadcast_in_dim3A : vector<512x1xf32> to vector<512x16xf32>
    %sub3A_17 = arith.subf %add3A_15, %sub3A : vector<512x16xf32>
    %exp3A = math.exp %sub3A_17 : vector<512x16xf32>
    %reduce_sum3A = arith.constant dense<0.000000e+00> : vector<512xf32>
    %reduce_sum3A_18 = vector.multi_reduction <add>, %exp3A, %reduce_sum3A [1] : vector<512x16xf32> to vector<512xf32>
    %broadcast_in_dim3A_19 = vector.shape_cast %reduce_sum3A_18 : vector<512xf32> to vector<512x1xf32>
    %log3A = math.log %broadcast_in_dim3A_19 : vector<512x1xf32>
    %add3A_20 = arith.addf %log3A, %broadcast_in_dim3A : vector<512x1xf32>
    %sub3A_21 = vector.broadcast %add3A_20 : vector<512x1xf32> to vector<512x16xf32>
    %sub3A_22 = arith.subf %add3A_15, %sub3A_21 : vector<512x16xf32>
    %swap3A = arith.constant 0 : index
    %swap3A_23 = arith.constant 0 : index
    %swap3A_24 = vector.load %arg5[%swap3A, %swap3A_23] : memref<512x16xf32, #tpu.memory_space<vmem>>, vector<512x16xf32>
    tpu.vector_store %arg5[%swap3A, %swap3A_23], %sub3A_22 {strides = array<i32>} : memref<512x16xf32, #tpu.memory_space<vmem>>, vector<512x16xf32>,
    return
  }
  func.func @transform_0(%arg0: i32) -> (i32, i32) {
    %c0_i32 = arith.constant 0 : i32
    %c0_i32_0 = arith.constant 0 : i32
    return %arg0, %c0_i32 : i32, i32
  }
  func.func @transform_1(%arg0: i32) -> (i32, i32) {
    %c0_i32 = arith.constant 0 : i32
    %c0_i32_0 = arith.constant 0 : i32
    %c0_i32_1 = arith.constant 0 : i32
    return %c0_i32, %c0_i32_0 : i32, i32
  }
  func.func @transform_2(%arg0: i32) -> (i32, i32) {
    %c0_i32 = arith.constant 0 : i32
    %c0_i32_0 = arith.constant 0 : i32
    %c0_i32_1 = arith.constant 0 : i32
    return %c0_i32, %c0_i32_0 : i32, i32
  }
  func.func @transform_3(%arg0: i32) -> (i32, i32) {
    %c0_i32 = arith.constant 0 : i32
    %c0_i32_0 = arith.constant 0 : i32
    %c0_i32_1 = arith.constant 0 : i32
    return %c0_i32, %c0_i32_0 : i32, i32
  }
  func.func @transform_4(%arg0: i32) -> (i32, i32) {
    %c0_i32 = arith.constant 0 : i32
    %c0_i32_0 = arith.constant 0 : i32
    return %arg0, %c0_i32 : i32, i32
  }
}

</mosaic_0001>

<sc_bundles>
// kernel: kernel.6.cloned.1.call-start
scs
__scs_entry_jumppad:
0x0: {  	(pc) =	sbr.rel $0x88, $3  }
0x1: {  	(tag) =	ssettag $0x0;
	lr =	simm.s32 $0x1  }
0x2: {  	[smem:$0x3F97] =	sst lr;
	_ =	strace $0xD0000000  }
0x3: {  	_ = 	snop  }
0x4: {  	_ = 	snop  }
0x5: {  	_ = 	snop  }
0x6: {  	_ = 	snop  }
0x7: {  	_ = 	snop  }
__scs_overlays_trampoline_lowered:
0x8: {  	[smem:$0x3FA6] =	sst s0  }
0x9: {  	[smem:$0x3FA7] =	sst s1  }
0xa: {  	[smem:$0x3FA8] =	sst s2  }
0xb: {  	[smem:$0x3FA9] =	sst s3  }
0xc: {  	[smem:$0x3FAA] =	sst s4  }
0xd: {  	[smem:$0x3FAB] =	sst s5  }
0xe: {  	[smem:$0x3FAC] =	sst s6  }
0xf: {  	[smem:$0x3FAD] =	sst s7  }
0x10: {  	[smem:$0x3FAE] =	sst s8  }
0x11: {  	[smem:$0x3FAF] =	sst s9;
	s0 =	simm.s32 @!p0 $0x0  }
0x12: {  	s1 =	sld [smem:$0x3F95];
	s0 =	simm.s32 @p0 $0x1  }
0x13: {  	[smem:$0x3FB0] =	sst s0;
	s0 =	simm.s32 @!p1 $0x0  }
0x14: {  	s2 =	sld [smem:$0x3F94];
	s0 =	simm.s32 @p1 $0x1  }
0x15: {  	[smem:$0x3FB1] =	sst s0;
	s0 =	simm.s32 @!p2 $0x0  }
0x16: {  	s3 =	sld [smem:$0x3FDB];
	s0 =	simm.s32 @p2 $0x1  }
0x17: {  	s4 =	simm.s32 $0x1BF5;
	[smem:$0x3FB3] =	sst s0  }
0x18: {  	s0 =	sld [smem:$0x3F96];
	_ =	swait.ge [sflag:s4], $0x0  }
0x19: {  	s7 =	sld [smem:$0x3F97]  }
0x1a: {  	s8 =	sadd.s32 $0xFFFFE003, lr  }
0x1b: {  	s9 =	sadd.s32 $0xFFFFFEF7, lr;
	s5 =	simm.s32 $0xFFFFFFFF;
	p2 =	slt.u32 s8, $0xFFFFF086  }
0x1c: {  	p1 =	slt.u32 s9, $0xF7A;
	s5 =	simm.s32 @!p2 $0x0  }
0x1d: {  	s5 =	simm.s32 @p1 $0x1;
	p0 =	seq.s32 s7, s2  }
0x1e: {  	s7 =	smul.u32 @!p0 $0xF7A, s2;
	p2 =	seq.s32 @!p0 s5, $0x0  }
0x1f: {  	s9 =	smul.u32 $0xF7A, s1;
	s8 =	simm.s32 @!p0 $0x1BF5;
	p2 =	por !p2, p0  }
0x20: {  	[sflag:s8] =	ssyncset.s32 @!p0 $0xFFFFF086;
	s6 =	sadd.s32 @!p0 s3, s7;
	s7 =	simm.s32 @!p0 $0x108  }
0x21: {  	s3 =	sadd.s32 s3, s9;
	s6 =	sadd.s32 @!p0 $0x88, s6;
	s7 =	simm.s32 @p2 $0x1082  }
0x22: {  	[simem:s7], [sflag:s8] =	dma.local @!p0 [hbm:s6], $0xF7A  }
0x23: {  	s9 =	sor.u32 $0xD0000000, s2;
	s6 =	simm.s32 $0x108;
	_ =	swait.ge @!p0 [sflag:s8], $0x0  }
0x24: {  	s3 =	sadd.s32 $0x88, s3;
	s6 =	simm.s32 @!p1 $0x1082;
	[sflag:s4] =	ssyncset.s32 $0xFFFFF086  }
0x25: {  	[simem:s6], [sflag:s4] =	dma.local [hbm:s3], $0xF7A  }
0x26: {  	[smem:$0x3F97] =	sst s1;
	(tag) =	ssettag s2;
	_ =	strace s9  }
0x27: {  	s1 =	sld [smem:$0x3FA7]  }
0x28: {  	s2 =	sld [smem:$0x3FA8]  }
0x29: {  	s4 =	sld [smem:$0x3FAA]  }
0x2a: {  	p0 =	seq.s32 s5, $0x0;
	s5 =	sld [smem:$0x3FAB]  }
0x2b: {  	s6 =	sld [smem:$0x3FAC]  }
0x2c: {  	s7 =	sld [smem:$0x3FAD]  }
0x2d: {  	s3 =	simm.s32 $0x108;
	s8 =	sld [smem:$0x3FAE]  }
0x2e: {  	s3 =	simm.s32 @!p0 $0x1082;
	s9 =	sld [smem:$0x3FAF]  }
0x2f: {  	lr =	sadd.s32 s0, s3;
	s0 =	sld [smem:$0x3FA6]  }
0x30: {  	s3 =	sld [smem:$0x3FA9]  }
0x31: {  	[smem:$0x3FB2] =	sst s10  }
0x32: {  	s10 =	sld [smem:$0x3FB0];
	_ =	sdelay $0x3  }
0x33: {  	p0 =	seq.s32 s10, $0x1;
	s10 =	sld [smem:$0x3FB2];
	_ =	sdelay $0x3  }
0x34: {  	[smem:$0x3FB2] =	sst s10  }
0x35: {  	s10 =	sld [smem:$0x3FB1];
	_ =	sdelay $0x3  }
0x36: {  	p1 =	seq.s32 s10, $0x1;
	s10 =	sld [smem:$0x3FB2];
	_ =	sdelay $0x3  }
0x37: {  	[smem:$0x3FB2] =	sst s10  }
0x38: {  	s10 =	sld [smem:$0x3FB3]  }
0x39: {  	_ = 	snop;
	(pc) =	sbr.ind lr, $3  }
0x3a: {  	_ = 	snop  }
0x3b: {  	_ = 	snop  }
0x3c: {  	p2 =	seq.s32 s10, $0x1;
	s10 =	sld [smem:$0x3FB2]  }
0x3d: {  	_ =	shalt  }
0x3e: {  	_ =	shalt  }
0x3f: {  	_ =	shalt  }
0x40: {  	_ =	shalt  }
0x41: {  	_ =	shalt  }
0x42: {  	_ =	shalt  }
0x43: {  	_ =	shalt  }
0x44: {  	_ =	shalt  }
0x45: {  	_ =	shalt  }
0x46: {  	_ =	shalt  }
0x47: {  	_ =	shalt  }
0x48: {  	_ =	shalt  }
0x49: {  	_ =	shalt  }
0x4a: {  	_ =	shalt  }
0x4b: {  	_ =	shalt  }
0x4c: {  	_ =	shalt  }
0x4d: {  	_ =	shalt  }
0x4e: {  	_ =	shalt  }
0x4f: {  	_ =	shalt  }
0x50: {  	_ =	shalt  }
0x51: {  	_ =	shalt  }
0x52: {  	_ =	shalt  }
0x53: {  	_ =	shalt  }
0x54: {  	_ =	shalt  }
0x55: {  	_ =	shalt  }
0x56: {  	_ =	shalt  }
0x57: {  	_ =	shalt  }
0x58: {  	_ =	shalt  }
0x59: {  	_ =	shalt  }
0x5a: {  	_ =	shalt  }
0x5b: {  	_ =	shalt  }
0x5c: {  	_ =	shalt  }
0x5d: {  	_ =	shalt  }
0x5e: {  	_ =	shalt  }
0x5f: {  	_ =	shalt  }
0x60: {  	_ =	shalt  }
0x61: {  	_ =	shalt  }
0x62: {  	_ =	shalt  }
0x63: {  	_ =	shalt  }
0x64: {  	_ =	shalt  }
0x65: {  	_ =	shalt  }
0x66: {  	_ =	shalt  }
0x67: {  	_ =	shalt  }
0x68: {  	_ =	shalt  }
0x69: {  	_ =	shalt  }
0x6a: {  	_ =	shalt  }
0x6b: {  	_ =	shalt  }
0x6c: {  	_ =	shalt  }
0x6d: {  	_ =	shalt  }
0x6e: {  	_ =	shalt  }
0x6f: {  	_ =	shalt  }
0x70: {  	_ =	shalt  }
0x71: {  	_ =	shalt  }
0x72: {  	_ =	shalt  }
0x73: {  	_ =	shalt  }
0x74: {  	_ =	shalt  }
0x75: {  	_ =	shalt  }
0x76: {  	_ =	shalt  }
0x77: {  	_ =	shalt  }
0x78: {  	_ =	shalt  }
0x79: {  	_ =	shalt  }
0x7a: {  	_ =	shalt  }
0x7b: {  	_ =	shalt  }
0x7c: {  	_ =	shalt  }
0x7d: {  	_ =	shalt  }
0x7e: {  	_ =	shalt  }
0x7f: {  	_ =	shalt  }
0x80: {  	_ =	shalt  }
0x81: {  	_ =	shalt  }
0x82: {  	_ =	shalt  }
0x83: {  	_ =	shalt  }
0x84: {  	_ =	shalt  }
0x85: {  	_ =	shalt  }
0x86: {  	_ =	shalt  }
0x87: {  	_ =	shalt  }
.Lfunc_end0:
.L_simem_size_0:
called_computation_lowered:
.L_overlay_start_0:
0x88: {  	s2 =	sld [smem:$0x3FD9]  }
0x89: {  	s3 =	sld [smem:$0x3FFE];
	_ =	sdelay $0x1  }
0x8a: {  	s1 =	srdreg.scid  }
0x8b: {  	s0 =	sand.u32 $0x1, s1  }
0x8c: {  	s17 =	sshll.u32 s0, $0xA;
	s2 =	sadd.s32 s3, s2  }
0x8d: {  	s2 =	sadd.s32 s2, s17  }
0x8e: {  	[smem:$0x3FBE] =	sst s2  }
0x8f: {  	_ = 	snop  }
0x90: {  	s2 =	sld [smem:$0x3FD0];
	(tm) =	ssettm $0x1  }
0x91: {  	s18 =	sld [smem:$0x3FFB];
	_ =	sdelay $0x3  }
0x92: {  	_ =	strace s18  }
0x93: {  	s3 =	sld [smem:$0x3FFC];
	_ =	sdelay $0x3  }
0x94: {  	_ =	strace s3  }
0x95: {  	s3 =	sld [smem:$0x3FFD];
	_ =	sdelay $0x3  }
0x96: {  	_ =	strace s3  }
0x97: {  	_ =	strace $0x8FFFFFFF  }
0x98: {  	s19 =	sld [smem:$0x3FDB];
	_ =	sdelay $0x1  }
0x99: {  	s4 =	simm.s32 $_scs_section_size  }
0x9a: {  	s5 =	simm.s32 $_size__tile_overlayer_lowered;
	s6 =	simm.s32 $_tile_overlayer_lowered  }
0x9b: {  	s22 =	simm.s32 $0x1BFF;
	s21 =	sshll.u32 s6, $0x1;
	s3 =	sadd.s32 s4, s19  }
0x9c: {  	s7 =	simm.s32 $0x0;
	s20 =	sshll.u32 s5, $0x1;
	s5 =	sadd.s32 s21, s3  }
0x9d: {  	[timem:s7], [sflag:s22] =	dma.local [hbm:s5], s20  }
0x9e: {  	_ =	swait.ge [sflag:s22], s20  }
0x9f: {  	s4 =	ssub.s32 $0x0, s20;
	[sflag:s22] =	ssyncset.done $0x0  }
0xa0: {  	[sflag:s22] =	ssyncadd.s32 s4;
	_ =	sdelay $0x1  }
0xa1: {  	s23 =	simm.s32 $0x1B8B  }
0xa2: {  	_ =	swait.ge [sflag:s23], $0x1  }
0xa3: {  	[sflag:s23] =	ssyncset.done $0x0  }
0xa4: {  	s25 =	simm.s32 $0x1B8E;
	s24 =	sld [smem:$0x3FFE];
	[sflag:s23] =	ssyncadd.s32 $0xFFFFFFFF  }
0xa5: {  	s26 =	simm.s32 $execute0_lowered;
	[smem:$0x3FD2] =	sst s25  }
0xa6: {  	s5 =	sshll.u32 s26, $0x1;
	_ =	strace $0x80000046;
	[dreg:$0x1] =	wrdreg $0xFFFFFFFF  }
0xa7: {  	s28 =	simm.s32 $_size_execute0_lowered;
	s3 =	sadd.s32 s3, s5;
	[dreg:$0x0] =	wrdreg $0x0  }
0xa8: {  	s5 =	sshll.u32 s28, $0x1;
	[dreg:$0x2] =	wrdreg s3  }
0xa9: {  	[dreg:$0x3] =	wrdreg s5  }
0xaa: {  	[dreg:$0x4] =	wrdreg $0xC0  }
0xab: {  	_ =	task [dreg:s7], $0x5FFFF  }
0xac: {  	[dreg:$0x1] =	wrdreg $0xFFFFFFFF  }
0xad: {  	[dreg:$0x0] =	wrdreg $0x60  }
0xae: {  	[dreg:$0x2] =	wrdreg s24  }
0xaf: {  	[dreg:$0x3] =	wrdreg s2  }
0xb0: {  	[dreg:$0x4] =	wrdreg $0x9  }
0xb1: {  	_ =	task.clear_ibuf [dreg:s7], $0x5FFFF;
	_ =	strace $0x90000046  }
0xb2: {  	s29 =	simm.s32 $0x9;
	_ =	strace $0x80000048  }
0xb3: {  	_ =	swait.ge [sflag:s29], $0x1  }
0xb4: {  	[sflag:s29] =	ssyncadd.s32 $0xFFFFFFFF  }
0xb5: {  	_ =	strace $0x90000048  }
0xb6: {  	_ =	sfence  }
0xb7: {  	s30 =	sld [smem:$0x0];
	_ =	sdelay $0x2  }
0xb8: {  	s31 =	sshll.u32 s1, $0xD;
	s1 =	sshrl.u32 s1, $0x2  }
0xb9: {  	s3 =	sand.u32 $0x4000, s31;
	s1 =	sadd.s32 s1, s30  }
0xba: {  	s0 =	sor.u32 s3, s0;
	s1 =	sshll.u32 s1, $0x11  }
0xbb: {  	s0 =	sor.u32 s1, s0  }
0xbc: {  	s0 =	sadd.s32 $0x8F2B, s0  }
0xbd: {  	[sflag:s0] =	ssyncadd.remote.s32 $0x1  }
0xbe: {  	_ =	sfence.sel $0xFFFF  }
0xbf: {  	[dreg:$0x0] =	wrdreg $0xFFFFFFFF;
	(pc) =	sbr.abs _section_cstart, $3  }
0xc0: {  	[dreg:$0x1] =	wrdreg $0xFFFFFFFF  }
0xc1: {  	_ =	task.clear_ibuf [dreg:s7], $0x2FFFF;
	_ =	strace $0x9FFFFFFF  }
0xc2: {  	(tm) =	ssettm $0x7FFFFFFF  }
0xc3: {  	_ =	shalt  }
tec
execute0_lowered:
.L_overlay_start_1:
0x0: {  	(tag) =	ssettag $0x1  }
0x1: {  	s3 =	rddreg [dreg:$0x0]  }
0x2: {  	s4 =	rddreg [dreg:$0x1]  }
0x3: {  	s0 =	rddreg [dreg:$0x2]  }
0x4: {  	s5 =	srdreg.scid;
	s1 =	stileid.u32;
	s2 =	simm.s32 $0x0  }
0x5: {  	s11 =	simm.s32 $0x0;
	s5 =	sand.u32 $0x1, s5;
	s6 =	sshll.u32 s1, $0x1  }
0x6: {  	[smem:$0x7FF] =	sst s2;
	s6 =	sor.u32 s5, s6;
	s5 =	ssub.s32 $0x2, s5  }
0x7: {  	_ =	strace $0x80000047;
	s7 =	sshll.u32 s6, $0xD;
	s8 =	sshrl.u32 s5, $0x1  }
0x8: {  	s6 =	sshll.u32 s6, $0x4;
	s3 =	sadd.s32 s7, s3;
	s5 =	ssub.s32 s5, s8  }
0x9: {  	s4 =	sadd.s32 s4, s6;
	s6 =	simm.s32 $0x1;
	s7 =	simm.s32 $0x10000  }
0xa: {  	s8 =	simm.s32 $0x0;
	s3 =	sadd.s32 $0x1200, s3;
	s5 =	smax.u32 s5, $0x1  }
.LBB2_1:
0xb: {  	[tilespmem:s2], [sflag:$0x1] =	stream.linear.gather [hbm4b:s3+s2], $0x10000, $0x38;
	[tilespmem:$0x10080] =	vst v63  }
0xc: {  	_ =	swait.ge [sflag:s6], $0x10000  }
0xd: {  	[sflag:s6] =	ssyncset.done $0x0  }
0xe: {  	[sflag:s6] =	ssyncadd.s32 $0xFFFF0000  }
0xf: {  	v0 =	vld [tilespmem:s11+$0x70]  }
0x10: {  	v2 =	vld [tilespmem:s11+$0x0]  }
0x11: {  	v3 =	vld [tilespmem:s11+$0x10]  }
0x12: {  	v12 =	vld [tilespmem:s11+$0x20]  }
0x13: {  	v10 =	vld [tilespmem:s11+$0x30]  }
0x14: {  	v1 =	vimm.f32 $0.0e+00;
	v6 =	vimm.f32 $0.0e+00;
	v7 =	vld [tilespmem:s11+$0x40]  }
0x15: {  	v9 =	vimm.f32 $0.0e+00;
	v8 =	vld [tilespmem:s11+$0x50];
	v0 =	vadd.f32 v0, v1;
	v5 =	vadd.f32 v2, v1  }
0x16: {  	s9 =	simm.s32 $0x80;
	s10 =	simm.s32 $0x400;
	v11 =	vld [tilespmem:s11+$0x60];
	v4 =	vadd.f32 v3, v1;
	v3 =	vimm.f32 $0.0e+00;
	v2 =	vimm.f32 $0.0e+00  }
.LBB2_2:
0x17: {  	p0 =	sne.s32 s10, $0x3FE00;
	v13 =	vld [tilespmem:s9+$0x70];
	v1 =	vadd.f32 v12, v1  }
0x18: {  	v14 =	vld [tilespmem:s9+$0x0];
	v6 =	vadd.f32 v10, v6  }
0x19: {  	v15 =	vld [tilespmem:s9+$0x10];
	v9 =	vadd.f32 v7, v9  }
.Ltmp0:
0x1a: {  	v12 =	vld [tilespmem:s9+$0x20];
	v3 =	vadd.f32 v8, v3;
	(pc) =	sbr.rel @p0 .LBB2_2-.Ltmp0, $4  }
0x1b: {  	v10 =	vld [tilespmem:s9+$0x30];
	v2 =	vadd.f32 v11, v2  }
0x1c: {  	v7 =	vld [tilespmem:s9+$0x40];
	v0 =	vadd.f32 v13, v0  }
0x1d: {  	v5 =	vadd.f32 v14, v5;
	v8 =	vld [tilespmem:s9+$0x50]  }
0x1e: {  	v4 =	vadd.f32 v15, v4;
	v11 =	vld [tilespmem:s9+$0x60];
	s9 =	sshra.s32 s10, $0x2;
	s10 =	sadd.s32 $0x200, s10  }
0x1f: {  	v13 =	vld [tilespmem:s9+$0x0]  }
0x20: {  	v14 =	vld [tilespmem:s9+$0x10]  }
0x21: {  	v15 =	vld [tilespmem:s9+$0x20]  }
0x22: {  	v16 =	vld [tilespmem:s9+$0x30]  }
0x23: {  	v17 =	vld [tilespmem:s9+$0x40]  }
0x24: {  	v1 =	vadd.f32 v12, v1;
	v58 =	vld [tilespmem:s9+$0x50];
	v5 =	vadd.f32 v13, v5  }
0x25: {  	v60 =	vld [tilespmem:s9+$0x70];
	v6 =	vadd.f32 v10, v6;
	v4 =	vadd.f32 v14, v4  }
0x26: {  	v59 =	vld [tilespmem:s9+$0x60];
	v7 =	vadd.f32 v7, v9;
	v1 =	vadd.f32 v15, v1;
	v5 =	vmul.f32 $1.953125000e-03, v5  }
0x27: {  	v3 =	vadd.f32 v8, v3;
	v6 =	vadd.f32 v16, v6;
	v4 =	vmul.f32 $1.953125000e-03, v4  }
0x28: {  	v7 =	vadd.f32 v17, v7;
	v1 =	vmul.f32 $1.953125000e-03, v1;
	[tilespmem:$0x10000] =	vst v5  }
0x29: {  	v2 =	vadd.f32 v11, v2;
	v3 =	vadd.f32 v58, v3;
	v61 =	vmul.f32 $1.953125000e-03, v6;
	[tilespmem:$0x10010] =	vst v4  }
0x2a: {  	v0 =	vadd.f32 v60, v0;
	v62 =	vmul.f32 $1.953125000e-03, v7;
	[tilespmem:$0x10020] =	vst v1  }
0x2b: {  	v2 =	vadd.f32 v59, v2;
	v3 =	vmul.f32 $1.953125000e-03, v3;
	[tilespmem:$0x10030] =	vst v61  }
0x2c: {  	v0 =	vmul.f32 $1.953125000e-03, v0;
	[tilespmem:$0x10040] =	vst v62  }
0x2d: {  	s8 =	sadd.s32 $0x1, s8;
	v63 =	vmul.f32 $1.953125000e-03, v2;
	[tilespmem:$0x10050] =	vst v3  }
0x2e: {  	p0 =	sne.s32 s8, s5;
	[tilespmem:$0x10070] =	vst v0  }
.Ltmp1:
0x2f: {  	[tilespmem:$0x10060] =	vst v63;
	(pc) =	sbr.rel @p0 .LBB2_1-.Ltmp1, $4  }
0x30: {  	[hbm4b:s4+s2] =	stream.linear.scatter [tilespmem:s7], [sflag:$0x1], $0x80, $0x38;
	[tilespmem:$0x10080] =	vst v63  }
0x31: {  	_ =	swait.ge [sflag:s6], $0x80  }
0x32: {  	[sflag:s6] =	ssyncset.done $0x0  }
0x33: {  	[sflag:s6] =	ssyncadd.s32 $0xFFFFFF80  }
0x34: {  	_ =	sfence.sel $0x180000  }
0x35: {  	[bflag:$0x0] =	sbarrier.arrive $0xFFFF  }
0x36: {  	p0 =	sne.s32 s1, $0x0;
	_ =	strace $0x90000047  }
0x37: {  	s0 =	sadd.s32 @!p0 $0x100000, s0;
	[bflag:$0x2] =	sbarrier.arrive $0xFFFF  }
0x38: {  	[sflag:s0] =	ssyncadd.tile.s32 @!p0 $0x1;
	_ =	shalt  }
.Lfunc_end2:
_tile_overlayer_lowered:
.L_overlay_start_2:
0x39: {  	(tag) =	ssettag $0x2  }
0x3a: {  	s0 =	rddreg [dreg:$0x0];
	s2 =	stileid.u32  }
0x3b: {  	s1 =	rddreg [dreg:$0x1];
	p0 =	sne.s32 s2, $0x0  }
0x3c: {  	s3 =	rddreg [dreg:$0x2];
	[bflag:$0x3] =	sbarrier.arrive $0xFFFF;
	s2 =	simm.s32 @!p0 $0x1C01  }
0x3d: {  	[timem:s3], [sflag:s2] =	dma.local @!p0 [hbm:s0], s1  }
0x3e: {  	s0 =	simm.s32 @!p0 $0x1  }
0x3f: {  	_ =	swait.ge @!p0 [sflag:s0], s1  }
0x40: {  	s1 =	ssub.s32 @!p0 $0x0, s1;
	[sflag:s0] =	ssyncset.done @!p0 $0x0  }
0x41: {  	[sflag:s0] =	ssyncadd.s32 @!p0 s1  }
0x42: {  	[bflag:$0x3] =	sbarrier.arrive $0xFFFF  }
0x43: {  	_ =	shalt  }

</sc_bundles>
